<compile_context>
chip_gen: v7x
topology: tpu7x:2x2x1
jax: 0.10.2.dev20260603
libtpu: 0.0.44.dev20260713+nightly
codegen_flags: <defaults>
</compile_context>

<pallas_src>
import functools

import jax
import jax.numpy as jnp
from jax import lax
from jax.experimental import pallas as pl
from jax.experimental.pallas import tpu as pltpu
from jax.experimental.pallas import tpu_sc as plsc

NC = 2
NS = 16
NW = NC * NS
LANES = 16


@functools.lru_cache(maxsize=None)
def _make_relayout(V, D, B, F):
    n_cols_full = V // 128
    tail = V - n_cols_full * 128
    N = B * F
    per_w = N // NW
    base_cols = n_cols_full // NW
    extra = n_cols_full - base_cols * NW

    mesh = plsc.VectorSubcoreMesh(
        core_axis_name="c", subcore_axis_name="s", num_cores=NC, num_subcores=NS
    )

    @functools.partial(
        pl.kernel,
        out_type=(
            jax.ShapeDtypeStruct((V * D // 128, 128), jnp.float32),
            jax.ShapeDtypeStruct((N,), jnp.int32),
        ),
        mesh=mesh,
        scratch_types=[
            pltpu.VMEM((2, D, 128), jnp.float32),
            pltpu.VMEM((2, 16, 128), jnp.float32),
            pltpu.VMEM((per_w,), jnp.int32),
            pltpu.VMEM((32,), jnp.int32),
            pltpu.SemaphoreType.DMA,
            pltpu.SemaphoreType.DMA,
        ],
        compiler_params=pltpu.CompilerParams(
            use_tc_tiling_on_sc=True, needs_layout_passes=False
        ),
    )
    def body(tt_hbm, xt_hbm, offs_hbm, scratch_hbm, rflat_hbm,
             tin, tout, xbuf, obuf, in_sem, out_sem):
        wid = lax.axis_index("s") * NC + lax.axis_index("c")
        my_cols = jnp.where(wid < extra, base_cols + 1, base_cols)
        col0 = wid * base_cols + jnp.minimum(wid, extra)

        def start_in(i):
            c = col0 + i
            return pltpu.async_copy(
                tt_hbm.at[:, pl.ds(c * 128, 128)], tin.at[i % 2], in_sem
            )

        def transpose_block(src, dst, nrows):
            def rows16(m, carry):
                for u in range(16):
                    r = m * 16 + u
                    idx_l = jnp.full((LANES,), r, jnp.int32)
                    vals = plsc.load_gather(
                        src, [lax.iota(jnp.int32, LANES), idx_l]
                    )
                    dst[2 * m + u // 8, pl.ds((u % 8) * 16, 16)] = vals
                return carry

            lax.fori_loop(0, nrows // 16, rows16, 0)

        start_in(0)

        def do_col(i, carry):
            c = col0 + i
            pltpu.make_async_copy(
                tt_hbm.at[:, pl.ds(c * 128, 128)], tin.at[i % 2], in_sem
            ).wait()

            @pl.when(i + 1 < my_cols)
            def _():
                pltpu.async_copy(
                    tt_hbm.at[:, pl.ds((c + 1) * 128, 128)], tin.at[(i + 1) % 2],
                    in_sem,
                )

            @pl.when(i >= 1)
            def _():
                pltpu.make_async_copy(
                    tout.at[(i - 1) % 2],
                    scratch_hbm.at[pl.ds((c - 1) * 16, 16)],
                    out_sem,
                ).wait()

            transpose_block(tin.at[i % 2], tout.at[i % 2], 128)
            pltpu.async_copy(
                tout.at[i % 2], scratch_hbm.at[pl.ds(c * 16, 16)], out_sem
            )
            return carry

        lax.fori_loop(0, my_cols, do_col, 0)
        pltpu.make_async_copy(
            tout.at[(my_cols - 1) % 2],
            scratch_hbm.at[pl.ds((col0 + my_cols - 1) * 16, 16)],
            out_sem,
        ).wait()

        pltpu.sync_copy(offs_hbm, obuf.at[pl.ds(0, F)])
        p0 = wid * per_w
        SUB = 1024
        assert per_w % SUB == 0 and B % SUB == 0

        def sub(s, carry):
            p = p0 + s * SUB
            f = p // B
            b0 = p - f * B
            pltpu.sync_copy(
                xt_hbm.at[f, pl.ds(b0, SUB)],
                xbuf.at[pl.ds(s * SUB, SUB)],
            )
            offv = plsc.load_gather(obuf, [jnp.full((LANES,), f, jnp.int32)])

            def addv(i, c):
                sl = pl.ds(s * SUB + i * LANES, LANES)
                xbuf[sl] = xbuf[sl] + offv
                return c

            lax.fori_loop(0, SUB // LANES, addv, 0)
            return carry

        lax.fori_loop(0, per_w // SUB, sub, 0)
        pltpu.sync_copy(xbuf, rflat_hbm.at[pl.ds(p0, per_w)])

    return body


@functools.lru_cache(maxsize=None)
def _make_gather(N, D, n_chunks, gath):
    per_w = N // NW
    chunk = per_w // n_chunks
    assert per_w * NW == N and chunk * n_chunks == per_w
    assert chunk % gath == 0 and chunk % 8 == 0

    mesh = plsc.VectorSubcoreMesh(
        core_axis_name="c", subcore_axis_name="s", num_cores=NC, num_subcores=NS
    )

    @functools.partial(
        pl.kernel,
        out_type=jax.ShapeDtypeStruct((N, D), jnp.float32),
        mesh=mesh,
        scratch_types=[
            pltpu.VMEM((chunk,), jnp.int32),
            pltpu.VMEM((chunk,), jnp.int32),
            pltpu.VMEM((chunk, D), jnp.float32),
            pltpu.VMEM((chunk, D), jnp.float32),
            pltpu.SemaphoreType.DMA,
            pltpu.SemaphoreType.DMA,
            pltpu.SemaphoreType.DMA,
            pltpu.SemaphoreType.DMA,
            pltpu.SemaphoreType.DMA,
        ],
        compiler_params=pltpu.CompilerParams(use_tc_tiling_on_sc=False),
    )
    def body(idx_hbm, table_hbm, out_hbm, idx0, idx1, rows0, rows1, in_sem,
             g_sem0, g_sem1, out_sem0, out_sem1):
        idxs = (idx0, idx1)
        rowss = (rows0, rows1)
        g_sems = (g_sem0, g_sem1)
        out_sems = (out_sem0, out_sem1)
        wid = lax.axis_index("s") * NC + lax.axis_index("c")
        base = wid * per_w

        def do_chunk(k, carry):
            cbase = base + k * chunk
            pltpu.sync_copy(idx_hbm.at[pl.ds(cbase, chunk)], idx0)

            def do_gather(j, c):
                sl = pl.ds(j * gath, gath)
                pltpu.async_copy(
                    table_hbm.at[idx0.at[sl]], rows0.at[sl], g_sem0
                ).wait()
                return c

            lax.fori_loop(0, chunk // gath, do_gather, 0)
            pltpu.sync_copy(rows0, out_hbm.at[pl.ds(cbase, chunk)])
            return carry

        lax.fori_loop(0, n_chunks, do_chunk, 0)

    return body


def kernel(xCat, table, offsets):
    B, F = xCat.shape
    V, D = table.shape
    N = B * F
    scratch, r_flat = _make_relayout(V, D, B, F)(
        table.T, xCat.T, offsets.astype(jnp.int32)
    )
    tail = V % 128
    if tail:
        tail_rows = table[V - tail :].reshape(tail * D // 128, 128)
        scratch = lax.dynamic_update_slice(
            scratch, tail_rows, ((V - tail) * D // 128, 0)
        )
    tbl = scratch.reshape(V, D)
    out = _make_gather(N, D, 8, 1664)(r_flat, tbl)
    return out.reshape(F, B, D).transpose(1, 0, 2)

# --- scband reference (transcript-rebuilt; emitter-appended) ---
"""Pipeline reference for scband-categorical-feature-tokenizer-40261023433115 (READ-ONLY COPY).

The authoritative reference and input builder live on the scoring server;
editing this copy changes nothing except your own understanding.
"""

import jax, jax.numpy as jnp
import numpy as np

CARDS = [100000] * 26
EMBED_DIM = 16
BATCH = 16384


def setup_inputs(seed: int = 0) -> dict:
    key = jax.random.key(seed)
    k1, k2 = jax.random.split(key)
    xCat = jax.random.randint(k1, (BATCH, len(CARDS)), 0, 100000, dtype=jnp.int32)
    offsets = jnp.array(np.cumsum([0] + CARDS[:-1]).astype(np.int64), dtype=jnp.int32)
    total_categories = int(sum(CARDS))
    # xavier_uniform_ on weight [total_categories, EMBED_DIM]
    bound = float(np.sqrt(6.0 / (total_categories + EMBED_DIM)))
    table = jax.random.uniform(k2, (total_categories, EMBED_DIM), minval=-bound, maxval=bound, dtype=jnp.float32)
    return {"xCat": xCat, "table": table, "offsets": offsets}


def reference(xCat, table, offsets):
    # xCat: [B, F] int; offsets: [F] int; table: [sum(cards), D]
    x_with_offsets = xCat + offsets[None, :]
    out = jnp.take(table, x_with_offsets, axis=0)  # [B, F, D]
    return out

if __name__ == "__main__":
    import jax
    _d = setup_inputs()
    print(jax.jit(kernel)(*tuple(_d.values())))

</pallas_src>

<mosaic_0001>
#map = affine_map<(d0, d1) -> (0, 0)>
#map1 = affine_map<(d0, d1) -> (0)>
module attributes {stable_mosaic.version = 14 : i64} {
  func.func @body(%arg0: i32, %arg1: i32, %arg2: memref<16x2600000xf32, #tpu.memory_space<hbm>>, %arg3: memref<26x16384xi32, #tpu.memory_space<hbm>>, %arg4: memref<26xi32, #tpu.memory_space<hbm>>, %arg5: memref<325000x128xf32, #tpu.memory_space<hbm>>, %arg6: memref<425984xi32, #tpu.memory_space<hbm>>, %arg7: memref<2x16x128xf32, #tpu.memory_space<vmem>>, %arg8: memref<2x16x128xf32, #tpu.memory_space<vmem>>, %arg9: memref<13312xi32, #tpu.memory_space<vmem>>, %arg10: memref<32xi32, #tpu.memory_space<vmem>>, %arg11: memref<!tpu.dma_semaphore, #tpu.memory_space<semaphore_mem>>, %arg12: memref<!tpu.dma_semaphore, #tpu.memory_space<semaphore_mem>>) attributes {dimension_semantics = [#tpu.dimension_semantics<core_parallel>, #tpu.dimension_semantics<subcore_parallel>], iteration_bounds = array<i64: 2, 16>, scalar_prefetch = 0 : i64, scratch_operands = 6 : i64, tpu.core_type = #tpu.core_type<sc_vector_subcore>, window_params = [{transform_indices = #map}, {transform_indices = #map}, {transform_indices = #map1}, {transform_indices = #map}, {transform_indices = #map1}]} {
    %mul3A = arith.constant 2 : i32
    %mul3A_0 = arith.muli %arg1, %mul3A : i32
    %add3A = arith.addi %mul3A_0, %arg0 : i32
    %lt3A = arith.constant 24 : i32
    %lt3A_1 = arith.cmpi slt, %add3A, %lt3A : i32
    %jit3A = arith.constant 635 : i32
    %jit3A_2 = arith.constant 634 : i32
    %select_n3A = arith.select %lt3A_1, %jit3A, %jit3A_2 : i32
    %mul3A_3 = arith.constant 634 : i32
    %mul3A_4 = arith.muli %add3A, %mul3A_3 : i32
    %min3A = arith.constant 24 : i32
    %min3A_5 = arith.minsi %add3A, %min3A : i32
    %add3A_6 = arith.addi %mul3A_4, %min3A_5 : i32
    %add3A_7 = arith.constant 0 : i32
    %add3A_8 = arith.addi %add3A_6, %add3A_7 : i32
    %mul3A_9 = arith.constant 128 : i32
    %mul3A_10 = arith.muli %add3A_8, %mul3A_9 : i32
    %dma_start3A = arith.constant 0 : i32
    %dma_start3A_11 = arith.constant 0 : i32
    %dma_start3A_12 = arith.constant 0 : i32
    %dma_start3A_13 = tpu.memref_slice %arg7[%dma_start3A, %dma_start3A_11, %dma_start3A_12] : memref<2x16x128xf32, #tpu.memory_space<vmem>> -> memref<1x16x128xf32, #tpu.memory_space<vmem>>
    %dma_start3A_14 = tpu.memref_squeeze %dma_start3A_13 : memref<1x16x128xf32, #tpu.memory_space<vmem>> -> memref<16x128xf32, #tpu.memory_space<vmem>>
    %dma_start3A_15 = arith.constant 0 : i32
    %dma_start3A_16 = tpu.memref_slice %arg2[%dma_start3A_15, %mul3A_10] : memref<16x2600000xf32, #tpu.memory_space<hbm>> -> memref<16x128xf32, #tpu.memory_space<hbm>>
    %dma_start3A_17 = arith.constant 0 : i32
    %dma_start3A_18 = arith.constant 0 : i32
    %dma_start3A_19 = tpu.memref_slice %arg7[%dma_start3A, %dma_start3A_17, %dma_start3A_18] : memref<2x16x128xf32, #tpu.memory_space<vmem>> -> memref<1x16x128xf32, #tpu.memory_space<vmem>>
    %dma_start3A_20 = tpu.memref_squeeze %dma_start3A_19 : memref<1x16x128xf32, #tpu.memory_space<vmem>> -> memref<16x128xf32, #tpu.memory_space<vmem>>
    %dma_start3A_21 = arith.constant 0 : i32
    %dma_start3A_22 = tpu.memref_slice %arg2[%dma_start3A_21, %mul3A_10] : memref<16x2600000xf32, #tpu.memory_space<hbm>> -> memref<16x128xf32, #tpu.memory_space<hbm>>
    tpu.enqueue_dma source(%dma_start3A_22 : memref<16x128xf32, #tpu.memory_space<hbm>>) target(%dma_start3A_20 : memref<16x128xf32, #tpu.memory_space<vmem>>) target_semaphore(%arg11 : memref<!tpu.dma_semaphore, #tpu.memory_space<semaphore_mem>>)
    %while3A = arith.constant 0 : i32
    %while3A_23 = arith.constant 0 : i32
    %while3A_24 = arith.subi %select_n3A, %while3A_23 : i32
    %while3A_25 = arith.addi %while3A_23, %while3A_24 : i32
    %while3A_26 = arith.constant 1 : i32
    %while3A_27 = arith.divsi %while3A_24, %while3A_26 : i32
    %while3A_28 = arith.muli %while3A_27, %while3A_26 : i32
    %while3A_29 = arith.addi %while3A_23, %while3A_28 : i32
    %while3A_30 = arith.constant 1 : i32
    scf.for %while3A_68 = %while3A_23 to %while3A_29 step %while3A_30  : i32 {
      %add3A_69 = arith.addi %add3A_6, %while3A_68 : i32
      %mul3A_70 = arith.constant 128 : i32
      %mul3A_71 = arith.muli %add3A_69, %mul3A_70 : i32
      %jit3A_72 = arith.constant 2 : i32
      %eq3A_73 = arith.constant 0 : i32
      %eq3A_74 = arith.cmpi eq, %jit3A_72, %eq3A_73 : i32
      %jit3A_75 = arith.constant 1 : i32
      %select_n3A_76 = arith.select %eq3A_74, %jit3A_75, %jit3A_72 : i32
      %rem3A_77 = arith.remsi %while3A_68, %select_n3A_76 : i32
      %ne3A_78 = arith.constant 0 : i32
      %ne3A_79 = arith.cmpi ne, %rem3A_77, %ne3A_78 : i32
      %lt3A_80 = arith.constant 0 : i32
      %lt3A_81 = arith.cmpi slt, %rem3A_77, %lt3A_80 : i32
      %lt3A_82 = arith.constant 0 : i32
      %lt3A_83 = arith.cmpi slt, %select_n3A_76, %lt3A_82 : i32
      %ne3A_84 = arith.xori %lt3A_81, %lt3A_83 : i1
      %and3A_85 = arith.andi %ne3A_84, %ne3A_79 : i1
      %add3A_86 = arith.addi %rem3A_77, %select_n3A_76 : i32
      %select_n3A_87 = arith.select %and3A_85, %add3A_86, %rem3A_77 : i32
      %dma_wait3A_88 = arith.constant 0 : i32
      %dma_wait3A_89 = arith.constant 0 : i32
      %dma_wait3A_90 = tpu.memref_slice %arg7[%select_n3A_87, %dma_wait3A_88, %dma_wait3A_89] : memref<2x16x128xf32, #tpu.memory_space<vmem>> -> memref<1x16x128xf32, #tpu.memory_space<vmem>>
      %dma_wait3A_91 = tpu.memref_squeeze %dma_wait3A_90 : memref<1x16x128xf32, #tpu.memory_space<vmem>> -> memref<16x128xf32, #tpu.memory_space<vmem>>
      %dma_wait3A_92 = arith.constant 0 : i32
      %dma_wait3A_93 = tpu.memref_slice %arg2[%dma_wait3A_92, %mul3A_71] : memref<16x2600000xf32, #tpu.memory_space<hbm>> -> memref<16x128xf32, #tpu.memory_space<hbm>>
      %dma_wait3A_94 = arith.constant 0 : i32
      %dma_wait3A_95 = arith.constant 0 : i32
      %dma_wait3A_96 = tpu.memref_slice %arg7[%select_n3A_87, %dma_wait3A_94, %dma_wait3A_95] : memref<2x16x128xf32, #tpu.memory_space<vmem>> -> memref<1x16x128xf32, #tpu.memory_space<vmem>>
      %dma_wait3A_97 = tpu.memref_squeeze %dma_wait3A_96 : memref<1x16x128xf32, #tpu.memory_space<vmem>> -> memref<16x128xf32, #tpu.memory_space<vmem>>
      %dma_wait3A_98 = arith.constant 0 : i32
      %dma_wait3A_99 = tpu.memref_slice %arg2[%dma_wait3A_98, %mul3A_71] : memref<16x2600000xf32, #tpu.memory_space<hbm>> -> memref<16x128xf32, #tpu.memory_space<hbm>>
      tpu.wait_dma2 semaphore(%arg11 : memref<!tpu.dma_semaphore, #tpu.memory_space<semaphore_mem>>) src(%dma_wait3A_99 : memref<16x128xf32, #tpu.memory_space<hbm>>) dst(%dma_wait3A_97 : memref<16x128xf32, #tpu.memory_space<vmem>>)
      %add3A_100 = arith.constant 1 : i32
      %add3A_101 = arith.addi %while3A_68, %add3A_100 : i32
      %lt3A_102 = arith.cmpi slt, %add3A_101, %select_n3A : i32
      %convert_element_type3A = arith.extui %lt3A_102 : i1 to i32
      %cond3A = arith.constant 0 : i32
      %cond3A_103 = arith.cmpi ne, %convert_element_type3A, %cond3A : i32
      scf.if %cond3A_103 {
        %add3A_176 = arith.constant 1 : i32
        %add3A_177 = arith.addi %add3A_69, %add3A_176 : i32
        %mul3A_178 = arith.constant 128 : i32
        %mul3A_179 = arith.muli %add3A_177, %mul3A_178 : i32
        %add3A_180 = arith.constant 1 : i32
        %add3A_181 = arith.addi %while3A_68, %add3A_180 : i32
        %jit3A_182 = arith.constant 2 : i32
        %eq3A_183 = arith.constant 0 : i32
        %eq3A_184 = arith.cmpi eq, %jit3A_182, %eq3A_183 : i32
        %jit3A_185 = arith.constant 1 : i32
        %select_n3A_186 = arith.select %eq3A_184, %jit3A_185, %jit3A_182 : i32
        %rem3A_187 = arith.remsi %add3A_181, %select_n3A_186 : i32
        %ne3A_188 = arith.constant 0 : i32
        %ne3A_189 = arith.cmpi ne, %rem3A_187, %ne3A_188 : i32
        %lt3A_190 = arith.constant 0 : i32
        %lt3A_191 = arith.cmpi slt, %rem3A_187, %lt3A_190 : i32
        %lt3A_192 = arith.constant 0 : i32
        %lt3A_193 = arith.cmpi slt, %select_n3A_186, %lt3A_192 : i32
        %ne3A_194 = arith.xori %lt3A_191, %lt3A_193 : i1
        %and3A_195 = arith.andi %ne3A_194, %ne3A_189 : i1
        %add3A_196 = arith.addi %rem3A_187, %select_n3A_186 : i32
        %select_n3A_197 = arith.select %and3A_195, %add3A_196, %rem3A_187 : i32
        %dma_start3A_198 = arith.constant 0 : i32
        %dma_start3A_199 = arith.constant 0 : i32
        %dma_start3A_200 = tpu.memref_slice %arg7[%select_n3A_197, %dma_start3A_198, %dma_start3A_199] : memref<2x16x128xf32, #tpu.memory_space<vmem>> -> memref<1x16x128xf32, #tpu.memory_space<vmem>>
        %dma_start3A_201 = tpu.memref_squeeze %dma_start3A_200 : memref<1x16x128xf32, #tpu.memory_space<vmem>> -> memref<16x128xf32, #tpu.memory_space<vmem>>
        %dma_start3A_202 = arith.constant 0 : i32
        %dma_start3A_203 = tpu.memref_slice %arg2[%dma_start3A_202, %mul3A_179] : memref<16x2600000xf32, #tpu.memory_space<hbm>> -> memref<16x128xf32, #tpu.memory_space<hbm>>
        %dma_start3A_204 = arith.constant 0 : i32
        %dma_start3A_205 = arith.constant 0 : i32
        %dma_start3A_206 = tpu.memref_slice %arg7[%select_n3A_197, %dma_start3A_204, %dma_start3A_205] : memref<2x16x128xf32, #tpu.memory_space<vmem>> -> memref<1x16x128xf32, #tpu.memory_space<vmem>>
        %dma_start3A_207 = tpu.memref_squeeze %dma_start3A_206 : memref<1x16x128xf32, #tpu.memory_space<vmem>> -> memref<16x128xf32, #tpu.memory_space<vmem>>
        %dma_start3A_208 = arith.constant 0 : i32
        %dma_start3A_209 = tpu.memref_slice %arg2[%dma_start3A_208, %mul3A_179] : memref<16x2600000xf32, #tpu.memory_space<hbm>> -> memref<16x128xf32, #tpu.memory_space<hbm>>
        tpu.enqueue_dma source(%dma_start3A_209 : memref<16x128xf32, #tpu.memory_space<hbm>>) target(%dma_start3A_207 : memref<16x128xf32, #tpu.memory_space<vmem>>) target_semaphore(%arg11 : memref<!tpu.dma_semaphore, #tpu.memory_space<semaphore_mem>>)
      } else {
      }
      %ge3A = arith.constant 1 : i32
      %ge3A_104 = arith.cmpi sge, %while3A_68, %ge3A : i32
      %convert_element_type3A_105 = arith.extui %ge3A_104 : i1 to i32
      %cond3A_106 = arith.constant 0 : i32
      %cond3A_107 = arith.cmpi ne, %convert_element_type3A_105, %cond3A_106 : i32
      scf.if %cond3A_107 {
        %sub3A_176 = arith.constant 1 : i32
        %sub3A_177 = arith.subi %while3A_68, %sub3A_176 : i32
        %jit3A_178 = arith.constant 2 : i32
        %eq3A_179 = arith.constant 0 : i32
        %eq3A_180 = arith.cmpi eq, %jit3A_178, %eq3A_179 : i32
        %jit3A_181 = arith.constant 1 : i32
        %select_n3A_182 = arith.select %eq3A_180, %jit3A_181, %jit3A_178 : i32
        %rem3A_183 = arith.remsi %sub3A_177, %select_n3A_182 : i32
        %ne3A_184 = arith.constant 0 : i32
        %ne3A_185 = arith.cmpi ne, %rem3A_183, %ne3A_184 : i32
        %lt3A_186 = arith.constant 0 : i32
        %lt3A_187 = arith.cmpi slt, %rem3A_183, %lt3A_186 : i32
        %lt3A_188 = arith.constant 0 : i32
        %lt3A_189 = arith.cmpi slt, %select_n3A_182, %lt3A_188 : i32
        %ne3A_190 = arith.xori %lt3A_187, %lt3A_189 : i1
        %and3A_191 = arith.andi %ne3A_190, %ne3A_185 : i1
        %add3A_192 = arith.addi %rem3A_183, %select_n3A_182 : i32
        %select_n3A_193 = arith.select %and3A_191, %add3A_192, %rem3A_183 : i32
        %sub3A_194 = arith.constant 1 : i32
        %sub3A_195 = arith.subi %add3A_69, %sub3A_194 : i32
        %mul3A_196 = arith.constant 16 : i32
        %mul3A_197 = arith.muli %sub3A_195, %mul3A_196 : i32
        %dma_wait3A_198 = arith.constant 0 : i32
        %dma_wait3A_199 = arith.constant 0 : i32
        %dma_wait3A_200 = tpu.memref_slice %arg8[%select_n3A_193, %dma_wait3A_198, %dma_wait3A_199] : memref<2x16x128xf32, #tpu.memory_space<vmem>> -> memref<1x16x128xf32, #tpu.memory_space<vmem>>
        %dma_wait3A_201 = tpu.memref_squeeze %dma_wait3A_200 : memref<1x16x128xf32, #tpu.memory_space<vmem>> -> memref<16x128xf32, #tpu.memory_space<vmem>>
        %dma_wait3A_202 = arith.constant 0 : i32
        %dma_wait3A_203 = tpu.memref_slice %arg5[%mul3A_197, %dma_wait3A_202] : memref<325000x128xf32, #tpu.memory_space<hbm>> -> memref<16x128xf32, #tpu.memory_space<hbm>>
        %dma_wait3A_204 = arith.constant 0 : i32
        %dma_wait3A_205 = tpu.memref_slice %arg5[%mul3A_197, %dma_wait3A_204] : memref<325000x128xf32, #tpu.memory_space<hbm>> -> memref<16x128xf32, #tpu.memory_space<hbm>>
        %dma_wait3A_206 = arith.constant 0 : i32
        %dma_wait3A_207 = arith.constant 0 : i32
        %dma_wait3A_208 = tpu.memref_slice %arg8[%select_n3A_193, %dma_wait3A_206, %dma_wait3A_207] : memref<2x16x128xf32, #tpu.memory_space<vmem>> -> memref<1x16x128xf32, #tpu.memory_space<vmem>>
        %dma_wait3A_209 = tpu.memref_squeeze %dma_wait3A_208 : memref<1x16x128xf32, #tpu.memory_space<vmem>> -> memref<16x128xf32, #tpu.memory_space<vmem>>
        tpu.wait_dma2 semaphore(%arg12 : memref<!tpu.dma_semaphore, #tpu.memory_space<semaphore_mem>>) src(%dma_wait3A_209 : memref<16x128xf32, #tpu.memory_space<vmem>>) dst(%dma_wait3A_205 : memref<16x128xf32, #tpu.memory_space<hbm>>)
      } else {
      }
      %jit3A_108 = arith.constant 2 : i32
      %eq3A_109 = arith.constant 0 : i32
      %eq3A_110 = arith.cmpi eq, %jit3A_108, %eq3A_109 : i32
      %jit3A_111 = arith.constant 1 : i32
      %select_n3A_112 = arith.select %eq3A_110, %jit3A_111, %jit3A_108 : i32
      %rem3A_113 = arith.remsi %while3A_68, %select_n3A_112 : i32
      %ne3A_114 = arith.constant 0 : i32
      %ne3A_115 = arith.cmpi ne, %rem3A_113, %ne3A_114 : i32
      %lt3A_116 = arith.constant 0 : i32
      %lt3A_117 = arith.cmpi slt, %rem3A_113, %lt3A_116 : i32
      %lt3A_118 = arith.constant 0 : i32
      %lt3A_119 = arith.cmpi slt, %select_n3A_112, %lt3A_118 : i32
      %ne3A_120 = arith.xori %lt3A_117, %lt3A_119 : i1
      %and3A_121 = arith.andi %ne3A_120, %ne3A_115 : i1
      %add3A_122 = arith.addi %rem3A_113, %select_n3A_112 : i32
      %select_n3A_123 = arith.select %and3A_121, %add3A_122, %rem3A_113 : i32
      %jit3A_124 = arith.constant 2 : i32
      %eq3A_125 = arith.constant 0 : i32
      %eq3A_126 = arith.cmpi eq, %jit3A_124, %eq3A_125 : i32
      %jit3A_127 = arith.constant 1 : i32
      %select_n3A_128 = arith.select %eq3A_126, %jit3A_127, %jit3A_124 : i32
      %rem3A_129 = arith.remsi %while3A_68, %select_n3A_128 : i32
      %ne3A_130 = arith.constant 0 : i32
      %ne3A_131 = arith.cmpi ne, %rem3A_129, %ne3A_130 : i32
      %lt3A_132 = arith.constant 0 : i32
      %lt3A_133 = arith.cmpi slt, %rem3A_129, %lt3A_132 : i32
      %lt3A_134 = arith.constant 0 : i32
      %lt3A_135 = arith.cmpi slt, %select_n3A_128, %lt3A_134 : i32
      %ne3A_136 = arith.xori %lt3A_133, %lt3A_135 : i1
      %and3A_137 = arith.andi %ne3A_136, %ne3A_131 : i1
      %add3A_138 = arith.addi %rem3A_129, %select_n3A_128 : i32
      %select_n3A_139 = arith.select %and3A_137, %add3A_138, %rem3A_129 : i32
      %scan3A_140 = arith.constant 0 : i32
      %scan3A_141 = arith.constant 0 : i32
      %scan3A_142 = arith.constant 8 : i32
      %scan3A_143 = arith.addi %scan3A_141, %scan3A_142 : i32
      %scan3A_144 = arith.constant 1 : i32
      scf.for %scan3A_176 = %scan3A_141 to %scan3A_143 step %scan3A_144  : i32 {
        %mul3A_177 = arith.constant 16 : i32
        %mul3A_178 = arith.muli %scan3A_176, %mul3A_177 : i32
        %add3A_179 = arith.constant 0 : i32
        %add3A_180 = arith.addi %mul3A_178, %add3A_179 : i32
        %broadcast_in_dim3A = vector.broadcast %add3A_180 : i32 to vector<16xi32>
        %iota3A = tpu.iota {dimensions = array<i32: 0>} : vector<16xi32>
        %gather3A = arith.constant 0 : i32
        %gather3A_181 = arith.constant 0 : i32
        %gather3A_182 = tpu.memref_slice %arg7[%select_n3A_123, %gather3A, %gather3A_181] : memref<2x16x128xf32, #tpu.memory_space<vmem>> -> memref<1x16x128xf32, #tpu.memory_space<vmem>>
        %gather3A_183 = tpu.memref_squeeze %gather3A_182 : memref<1x16x128xf32, #tpu.memory_space<vmem>> -> memref<16x128xf32, #tpu.memory_space<vmem>>
        %gather3A_184 = tpu.vector_load_idx %gather3A_183[%iota3A, %broadcast_in_dim3A] : memref<16x128xf32, #tpu.memory_space<vmem>>[vector<16xi32>, vector<16xi32>], vector<16xf32>,
        %mul3A_185 = arith.constant 2 : i32
        %mul3A_186 = arith.muli %mul3A_185, %scan3A_176 : i32
        %add3A_187 = arith.constant 0 : i32
        %add3A_188 = arith.addi %mul3A_186, %add3A_187 : i32
        %swap3A = arith.constant 0 : i32
        %swap3A_189 = arith.constant 0 : i32
        %swap3A_190 = tpu.memref_slice %arg8[%select_n3A_139, %swap3A, %swap3A_189] : memref<2x16x128xf32, #tpu.memory_space<vmem>> -> memref<1x16x128xf32, #tpu.memory_space<vmem>>
        %swap3A_191 = tpu.memref_squeeze %swap3A_190 : memref<1x16x128xf32, #tpu.memory_space<vmem>> -> memref<16x128xf32, #tpu.memory_space<vmem>>
        %swap3A_192 = arith.index_cast %add3A_188 : i32 to index
        %swap3A_193 = arith.constant 0 : index
        %swap3A_194 = tpu.vector_load %swap3A_191[%swap3A_192, %swap3A_193] {strides = array<i32>} : memref<16x128xf32, #tpu.memory_space<vmem>>, vector<16xf32>,
        tpu.vector_store %swap3A_191[%swap3A_192, %swap3A_193], %gather3A_184 {strides = array<i32>} : memref<16x128xf32, #tpu.memory_space<vmem>>, vector<16xf32>,
        %mul3A_195 = arith.constant 16 : i32
        %mul3A_196 = arith.muli %scan3A_176, %mul3A_195 : i32
        %add3A_197 = arith.constant 1 : i32
        %add3A_198 = arith.addi %mul3A_196, %add3A_197 : i32
        %broadcast_in_dim3A_199 = vector.broadcast %add3A_198 : i32 to vector<16xi32>
        %iota3A_200 = tpu.iota {dimensions = array<i32: 0>} : vector<16xi32>
        %gather3A_201 = arith.constant 0 : i32
        %gather3A_202 = arith.constant 0 : i32
        %gather3A_203 = tpu.memref_slice %arg7[%select_n3A_123, %gather3A_201, %gather3A_202] : memref<2x16x128xf32, #tpu.memory_space<vmem>> -> memref<1x16x128xf32, #tpu.memory_space<vmem>>
        %gather3A_204 = tpu.memref_squeeze %gather3A_203 : memref<1x16x128xf32, #tpu.memory_space<vmem>> -> memref<16x128xf32, #tpu.memory_space<vmem>>
        %gather3A_205 = tpu.vector_load_idx %gather3A_204[%iota3A_200, %broadcast_in_dim3A_199] : memref<16x128xf32, #tpu.memory_space<vmem>>[vector<16xi32>, vector<16xi32>], vector<16xf32>,
        %mul3A_206 = arith.constant 2 : i32
        %mul3A_207 = arith.muli %mul3A_206, %scan3A_176 : i32
        %add3A_208 = arith.constant 0 : i32
        %add3A_209 = arith.addi %mul3A_207, %add3A_208 : i32
        %swap3A_210 = arith.constant 0 : i32
        %swap3A_211 = arith.constant 0 : i32
        %swap3A_212 = tpu.memref_slice %arg8[%select_n3A_139, %swap3A_210, %swap3A_211] : memref<2x16x128xf32, #tpu.memory_space<vmem>> -> memref<1x16x128xf32, #tpu.memory_space<vmem>>
        %swap3A_213 = tpu.memref_squeeze %swap3A_212 : memref<1x16x128xf32, #tpu.memory_space<vmem>> -> memref<16x128xf32, #tpu.memory_space<vmem>>
        %swap3A_214 = arith.index_cast %add3A_209 : i32 to index
        %swap3A_215 = arith.constant 16 : index
        %swap3A_216 = tpu.vector_load %swap3A_213[%swap3A_214, %swap3A_215] {strides = array<i32>} : memref<16x128xf32, #tpu.memory_space<vmem>>, vector<16xf32>,
        tpu.vector_store %swap3A_213[%swap3A_214, %swap3A_215], %gather3A_205 {strides = array<i32>} : memref<16x128xf32, #tpu.memory_space<vmem>>, vector<16xf32>,
        %mul3A_217 = arith.constant 16 : i32
        %mul3A_218 = arith.muli %scan3A_176, %mul3A_217 : i32
        %add3A_219 = arith.constant 2 : i32
        %add3A_220 = arith.addi %mul3A_218, %add3A_219 : i32
        %broadcast_in_dim3A_221 = vector.broadcast %add3A_220 : i32 to vector<16xi32>
        %iota3A_222 = tpu.iota {dimensions = array<i32: 0>} : vector<16xi32>
        %gather3A_223 = arith.constant 0 : i32
        %gather3A_224 = arith.constant 0 : i32
        %gather3A_225 = tpu.memref_slice %arg7[%select_n3A_123, %gather3A_223, %gather3A_224] : memref<2x16x128xf32, #tpu.memory_space<vmem>> -> memref<1x16x128xf32, #tpu.memory_space<vmem>>
        %gather3A_226 = tpu.memref_squeeze %gather3A_225 : memref<1x16x128xf32, #tpu.memory_space<vmem>> -> memref<16x128xf32, #tpu.memory_space<vmem>>
        %gather3A_227 = tpu.vector_load_idx %gather3A_226[%iota3A_222, %broadcast_in_dim3A_221] : memref<16x128xf32, #tpu.memory_space<vmem>>[vector<16xi32>, vector<16xi32>], vector<16xf32>,
        %mul3A_228 = arith.constant 2 : i32
        %mul3A_229 = arith.muli %mul3A_228, %scan3A_176 : i32
        %add3A_230 = arith.constant 0 : i32
        %add3A_231 = arith.addi %mul3A_229, %add3A_230 : i32
        %swap3A_232 = arith.constant 0 : i32
        %swap3A_233 = arith.constant 0 : i32
        %swap3A_234 = tpu.memref_slice %arg8[%select_n3A_139, %swap3A_232, %swap3A_233] : memref<2x16x128xf32, #tpu.memory_space<vmem>> -> memref<1x16x128xf32, #tpu.memory_space<vmem>>
        %swap3A_235 = tpu.memref_squeeze %swap3A_234 : memref<1x16x128xf32, #tpu.memory_space<vmem>> -> memref<16x128xf32, #tpu.memory_space<vmem>>
        %swap3A_236 = arith.index_cast %add3A_231 : i32 to index
        %swap3A_237 = arith.constant 32 : index
        %swap3A_238 = tpu.vector_load %swap3A_235[%swap3A_236, %swap3A_237] {strides = array<i32>} : memref<16x128xf32, #tpu.memory_space<vmem>>, vector<16xf32>,
        tpu.vector_store %swap3A_235[%swap3A_236, %swap3A_237], %gather3A_227 {strides = array<i32>} : memref<16x128xf32, #tpu.memory_space<vmem>>, vector<16xf32>,
        %mul3A_239 = arith.constant 16 : i32
        %mul3A_240 = arith.muli %scan3A_176, %mul3A_239 : i32
        %add3A_241 = arith.constant 3 : i32
        %add3A_242 = arith.addi %mul3A_240, %add3A_241 : i32
        %broadcast_in_dim3A_243 = vector.broadcast %add3A_242 : i32 to vector<16xi32>
        %iota3A_244 = tpu.iota {dimensions = array<i32: 0>} : vector<16xi32>
        %gather3A_245 = arith.constant 0 : i32
        %gather3A_246 = arith.constant 0 : i32
        %gather3A_247 = tpu.memref_slice %arg7[%select_n3A_123, %gather3A_245, %gather3A_246] : memref<2x16x128xf32, #tpu.memory_space<vmem>> -> memref<1x16x128xf32, #tpu.memory_space<vmem>>
        %gather3A_248 = tpu.memref_squeeze %gather3A_247 : memref<1x16x128xf32, #tpu.memory_space<vmem>> -> memref<16x128xf32, #tpu.memory_space<vmem>>
        %gather3A_249 = tpu.vector_load_idx %gather3A_248[%iota3A_244, %broadcast_in_dim3A_243] : memref<16x128xf32, #tpu.memory_space<vmem>>[vector<16xi32>, vector<16xi32>], vector<16xf32>,
        %mul3A_250 = arith.constant 2 : i32
        %mul3A_251 = arith.muli %mul3A_250, %scan3A_176 : i32
        %add3A_252 = arith.constant 0 : i32
        %add3A_253 = arith.addi %mul3A_251, %add3A_252 : i32
        %swap3A_254 = arith.constant 0 : i32
        %swap3A_255 = arith.constant 0 : i32
        %swap3A_256 = tpu.memref_slice %arg8[%select_n3A_139, %swap3A_254, %swap3A_255] : memref<2x16x128xf32, #tpu.memory_space<vmem>> -> memref<1x16x128xf32, #tpu.memory_space<vmem>>
        %swap3A_257 = tpu.memref_squeeze %swap3A_256 : memref<1x16x128xf32, #tpu.memory_space<vmem>> -> memref<16x128xf32, #tpu.memory_space<vmem>>
        %swap3A_258 = arith.index_cast %add3A_253 : i32 to index
        %swap3A_259 = arith.constant 48 : index
        %swap3A_260 = tpu.vector_load %swap3A_257[%swap3A_258, %swap3A_259] {strides = array<i32>} : memref<16x128xf32, #tpu.memory_space<vmem>>, vector<16xf32>,
        tpu.vector_store %swap3A_257[%swap3A_258, %swap3A_259], %gather3A_249 {strides = array<i32>} : memref<16x128xf32, #tpu.memory_space<vmem>>, vector<16xf32>,
        %mul3A_261 = arith.constant 16 : i32
        %mul3A_262 = arith.muli %scan3A_176, %mul3A_261 : i32
        %add3A_263 = arith.constant 4 : i32
        %add3A_264 = arith.addi %mul3A_262, %add3A_263 : i32
        %broadcast_in_dim3A_265 = vector.broadcast %add3A_264 : i32 to vector<16xi32>
        %iota3A_266 = tpu.iota {dimensions = array<i32: 0>} : vector<16xi32>
        %gather3A_267 = arith.constant 0 : i32
        %gather3A_268 = arith.constant 0 : i32
        %gather3A_269 = tpu.memref_slice %arg7[%select_n3A_123, %gather3A_267, %gather3A_268] : memref<2x16x128xf32, #tpu.memory_space<vmem>> -> memref<1x16x128xf32, #tpu.memory_space<vmem>>
        %gather3A_270 = tpu.memref_squeeze %gather3A_269 : memref<1x16x128xf32, #tpu.memory_space<vmem>> -> memref<16x128xf32, #tpu.memory_space<vmem>>
        %gather3A_271 = tpu.vector_load_idx %gather3A_270[%iota3A_266, %broadcast_in_dim3A_265] : memref<16x128xf32, #tpu.memory_space<vmem>>[vector<16xi32>, vector<16xi32>], vector<16xf32>,
        %mul3A_272 = arith.constant 2 : i32
        %mul3A_273 = arith.muli %mul3A_272, %scan3A_176 : i32
        %add3A_274 = arith.constant 0 : i32
        %add3A_275 = arith.addi %mul3A_273, %add3A_274 : i32
        %swap3A_276 = arith.constant 0 : i32
        %swap3A_277 = arith.constant 0 : i32
        %swap3A_278 = tpu.memref_slice %arg8[%select_n3A_139, %swap3A_276, %swap3A_277] : memref<2x16x128xf32, #tpu.memory_space<vmem>> -> memref<1x16x128xf32, #tpu.memory_space<vmem>>
        %swap3A_279 = tpu.memref_squeeze %swap3A_278 : memref<1x16x128xf32, #tpu.memory_space<vmem>> -> memref<16x128xf32, #tpu.memory_space<vmem>>
        %swap3A_280 = arith.index_cast %add3A_275 : i32 to index
        %swap3A_281 = arith.constant 64 : index
        %swap3A_282 = tpu.vector_load %swap3A_279[%swap3A_280, %swap3A_281] {strides = array<i32>} : memref<16x128xf32, #tpu.memory_space<vmem>>, vector<16xf32>,
        tpu.vector_store %swap3A_279[%swap3A_280, %swap3A_281], %gather3A_271 {strides = array<i32>} : memref<16x128xf32, #tpu.memory_space<vmem>>, vector<16xf32>,
        %mul3A_283 = arith.constant 16 : i32
        %mul3A_284 = arith.muli %scan3A_176, %mul3A_283 : i32
        %add3A_285 = arith.constant 5 : i32
        %add3A_286 = arith.addi %mul3A_284, %add3A_285 : i32
        %broadcast_in_dim3A_287 = vector.broadcast %add3A_286 : i32 to vector<16xi32>
        %iota3A_288 = tpu.iota {dimensions = array<i32: 0>} : vector<16xi32>
        %gather3A_289 = arith.constant 0 : i32
        %gather3A_290 = arith.constant 0 : i32
        %gather3A_291 = tpu.memref_slice %arg7[%select_n3A_123, %gather3A_289, %gather3A_290] : memref<2x16x128xf32, #tpu.memory_space<vmem>> -> memref<1x16x128xf32, #tpu.memory_space<vmem>>
        %gather3A_292 = tpu.memref_squeeze %gather3A_291 : memref<1x16x128xf32, #tpu.memory_space<vmem>> -> memref<16x128xf32, #tpu.memory_space<vmem>>
        %gather3A_293 = tpu.vector_load_idx %gather3A_292[%iota3A_288, %broadcast_in_dim3A_287] : memref<16x128xf32, #tpu.memory_space<vmem>>[vector<16xi32>, vector<16xi32>], vector<16xf32>,
        %mul3A_294 = arith.constant 2 : i32
        %mul3A_295 = arith.muli %mul3A_294, %scan3A_176 : i32
        %add3A_296 = arith.constant 0 : i32
        %add3A_297 = arith.addi %mul3A_295, %add3A_296 : i32
        %swap3A_298 = arith.constant 0 : i32
        %swap3A_299 = arith.constant 0 : i32
        %swap3A_300 = tpu.memref_slice %arg8[%select_n3A_139, %swap3A_298, %swap3A_299] : memref<2x16x128xf32, #tpu.memory_space<vmem>> -> memref<1x16x128xf32, #tpu.memory_space<vmem>>
        %swap3A_301 = tpu.memref_squeeze %swap3A_300 : memref<1x16x128xf32, #tpu.memory_space<vmem>> -> memref<16x128xf32, #tpu.memory_space<vmem>>
        %swap3A_302 = arith.index_cast %add3A_297 : i32 to index
        %swap3A_303 = arith.constant 80 : index
        %swap3A_304 = tpu.vector_load %swap3A_301[%swap3A_302, %swap3A_303] {strides = array<i32>} : memref<16x128xf32, #tpu.memory_space<vmem>>, vector<16xf32>,
        tpu.vector_store %swap3A_301[%swap3A_302, %swap3A_303], %gather3A_293 {strides = array<i32>} : memref<16x128xf32, #tpu.memory_space<vmem>>, vector<16xf32>,
        %mul3A_305 = arith.constant 16 : i32
        %mul3A_306 = arith.muli %scan3A_176, %mul3A_305 : i32
        %add3A_307 = arith.constant 6 : i32
        %add3A_308 = arith.addi %mul3A_306, %add3A_307 : i32
        %broadcast_in_dim3A_309 = vector.broadcast %add3A_308 : i32 to vector<16xi32>
        %iota3A_310 = tpu.iota {dimensions = array<i32: 0>} : vector<16xi32>
        %gather3A_311 = arith.constant 0 : i32
        %gather3A_312 = arith.constant 0 : i32
        %gather3A_313 = tpu.memref_slice %arg7[%select_n3A_123, %gather3A_311, %gather3A_312] : memref<2x16x128xf32, #tpu.memory_space<vmem>> -> memref<1x16x128xf32, #tpu.memory_space<vmem>>
        %gather3A_314 = tpu.memref_squeeze %gather3A_313 : memref<1x16x128xf32, #tpu.memory_space<vmem>> -> memref<16x128xf32, #tpu.memory_space<vmem>>
        %gather3A_315 = tpu.vector_load_idx %gather3A_314[%iota3A_310, %broadcast_in_dim3A_309] : memref<16x128xf32, #tpu.memory_space<vmem>>[vector<16xi32>, vector<16xi32>], vector<16xf32>,
        %mul3A_316 = arith.constant 2 : i32
        %mul3A_317 = arith.muli %mul3A_316, %scan3A_176 : i32
        %add3A_318 = arith.constant 0 : i32
        %add3A_319 = arith.addi %mul3A_317, %add3A_318 : i32
        %swap3A_320 = arith.constant 0 : i32
        %swap3A_321 = arith.constant 0 : i32
        %swap3A_322 = tpu.memref_slice %arg8[%select_n3A_139, %swap3A_320, %swap3A_321] : memref<2x16x128xf32, #tpu.memory_space<vmem>> -> memref<1x16x128xf32, #tpu.memory_space<vmem>>
        %swap3A_323 = tpu.memref_squeeze %swap3A_322 : memref<1x16x128xf32, #tpu.memory_space<vmem>> -> memref<16x128xf32, #tpu.memory_space<vmem>>
        %swap3A_324 = arith.index_cast %add3A_319 : i32 to index
        %swap3A_325 = arith.constant 96 : index
        %swap3A_326 = tpu.vector_load %swap3A_323[%swap3A_324, %swap3A_325] {strides = array<i32>} : memref<16x128xf32, #tpu.memory_space<vmem>>, vector<16xf32>,
        tpu.vector_store %swap3A_323[%swap3A_324, %swap3A_325], %gather3A_315 {strides = array<i32>} : memref<16x128xf32, #tpu.memory_space<vmem>>, vector<16xf32>,
        %mul3A_327 = arith.constant 16 : i32
        %mul3A_328 = arith.muli %scan3A_176, %mul3A_327 : i32
        %add3A_329 = arith.constant 7 : i32
        %add3A_330 = arith.addi %mul3A_328, %add3A_329 : i32
        %broadcast_in_dim3A_331 = vector.broadcast %add3A_330 : i32 to vector<16xi32>
        %iota3A_332 = tpu.iota {dimensions = array<i32: 0>} : vector<16xi32>
        %gather3A_333 = arith.constant 0 : i32
        %gather3A_334 = arith.constant 0 : i32
        %gather3A_335 = tpu.memref_slice %arg7[%select_n3A_123, %gather3A_333, %gather3A_334] : memref<2x16x128xf32, #tpu.memory_space<vmem>> -> memref<1x16x128xf32, #tpu.memory_space<vmem>>
        %gather3A_336 = tpu.memref_squeeze %gather3A_335 : memref<1x16x128xf32, #tpu.memory_space<vmem>> -> memref<16x128xf32, #tpu.memory_space<vmem>>
        %gather3A_337 = tpu.vector_load_idx %gather3A_336[%iota3A_332, %broadcast_in_dim3A_331] : memref<16x128xf32, #tpu.memory_space<vmem>>[vector<16xi32>, vector<16xi32>], vector<16xf32>,
        %mul3A_338 = arith.constant 2 : i32
        %mul3A_339 = arith.muli %mul3A_338, %scan3A_176 : i32
        %add3A_340 = arith.constant 0 : i32
        %add3A_341 = arith.addi %mul3A_339, %add3A_340 : i32
        %swap3A_342 = arith.constant 0 : i32
        %swap3A_343 = arith.constant 0 : i32
        %swap3A_344 = tpu.memref_slice %arg8[%select_n3A_139, %swap3A_342, %swap3A_343] : memref<2x16x128xf32, #tpu.memory_space<vmem>> -> memref<1x16x128xf32, #tpu.memory_space<vmem>>
        %swap3A_345 = tpu.memref_squeeze %swap3A_344 : memref<1x16x128xf32, #tpu.memory_space<vmem>> -> memref<16x128xf32, #tpu.memory_space<vmem>>
        %swap3A_346 = arith.index_cast %add3A_341 : i32 to index
        %swap3A_347 = arith.constant 112 : index
        %swap3A_348 = tpu.vector_load %swap3A_345[%swap3A_346, %swap3A_347] {strides = array<i32>} : memref<16x128xf32, #tpu.memory_space<vmem>>, vector<16xf32>,
        tpu.vector_store %swap3A_345[%swap3A_346, %swap3A_347], %gather3A_337 {strides = array<i32>} : memref<16x128xf32, #tpu.memory_space<vmem>>, vector<16xf32>,
        %mul3A_349 = arith.constant 16 : i32
        %mul3A_350 = arith.muli %scan3A_176, %mul3A_349 : i32
        %add3A_351 = arith.constant 8 : i32
        %add3A_352 = arith.addi %mul3A_350, %add3A_351 : i32
        %broadcast_in_dim3A_353 = vector.broadcast %add3A_352 : i32 to vector<16xi32>
        %iota3A_354 = tpu.iota {dimensions = array<i32: 0>} : vector<16xi32>
        %gather3A_355 = arith.constant 0 : i32
        %gather3A_356 = arith.constant 0 : i32
        %gather3A_357 = tpu.memref_slice %arg7[%select_n3A_123, %gather3A_355, %gather3A_356] : memref<2x16x128xf32, #tpu.memory_space<vmem>> -> memref<1x16x128xf32, #tpu.memory_space<vmem>>
        %gather3A_358 = tpu.memref_squeeze %gather3A_357 : memref<1x16x128xf32, #tpu.memory_space<vmem>> -> memref<16x128xf32, #tpu.memory_space<vmem>>
        %gather3A_359 = tpu.vector_load_idx %gather3A_358[%iota3A_354, %broadcast_in_dim3A_353] : memref<16x128xf32, #tpu.memory_space<vmem>>[vector<16xi32>, vector<16xi32>], vector<16xf32>,
        %mul3A_360 = arith.constant 2 : i32
        %mul3A_361 = arith.muli %mul3A_360, %scan3A_176 : i32
        %add3A_362 = arith.constant 1 : i32
        %add3A_363 = arith.addi %mul3A_361, %add3A_362 : i32
        %swap3A_364 = arith.constant 0 : i32
        %swap3A_365 = arith.constant 0 : i32
        %swap3A_366 = tpu.memref_slice %arg8[%select_n3A_139, %swap3A_364, %swap3A_365] : memref<2x16x128xf32, #tpu.memory_space<vmem>> -> memref<1x16x128xf32, #tpu.memory_space<vmem>>
        %swap3A_367 = tpu.memref_squeeze %swap3A_366 : memref<1x16x128xf32, #tpu.memory_space<vmem>> -> memref<16x128xf32, #tpu.memory_space<vmem>>
        %swap3A_368 = arith.index_cast %add3A_363 : i32 to index
        %swap3A_369 = arith.constant 0 : index
        %swap3A_370 = tpu.vector_load %swap3A_367[%swap3A_368, %swap3A_369] {strides = array<i32>} : memref<16x128xf32, #tpu.memory_space<vmem>>, vector<16xf32>,
        tpu.vector_store %swap3A_367[%swap3A_368, %swap3A_369], %gather3A_359 {strides = array<i32>} : memref<16x128xf32, #tpu.memory_space<vmem>>, vector<16xf32>,
        %mul3A_371 = arith.constant 16 : i32
        %mul3A_372 = arith.muli %scan3A_176, %mul3A_371 : i32
        %add3A_373 = arith.constant 9 : i32
        %add3A_374 = arith.addi %mul3A_372, %add3A_373 : i32
        %broadcast_in_dim3A_375 = vector.broadcast %add3A_374 : i32 to vector<16xi32>
        %iota3A_376 = tpu.iota {dimensions = array<i32: 0>} : vector<16xi32>
        %gather3A_377 = arith.constant 0 : i32
        %gather3A_378 = arith.constant 0 : i32
        %gather3A_379 = tpu.memref_slice %arg7[%select_n3A_123, %gather3A_377, %gather3A_378] : memref<2x16x128xf32, #tpu.memory_space<vmem>> -> memref<1x16x128xf32, #tpu.memory_space<vmem>>
        %gather3A_380 = tpu.memref_squeeze %gather3A_379 : memref<1x16x128xf32, #tpu.memory_space<vmem>> -> memref<16x128xf32, #tpu.memory_space<vmem>>
        %gather3A_381 = tpu.vector_load_idx %gather3A_380[%iota3A_376, %broadcast_in_dim3A_375] : memref<16x128xf32, #tpu.memory_space<vmem>>[vector<16xi32>, vector<16xi32>], vector<16xf32>,
        %mul3A_382 = arith.constant 2 : i32
        %mul3A_383 = arith.muli %mul3A_382, %scan3A_176 : i32
        %add3A_384 = arith.constant 1 : i32
        %add3A_385 = arith.addi %mul3A_383, %add3A_384 : i32
        %swap3A_386 = arith.constant 0 : i32
        %swap3A_387 = arith.constant 0 : i32
        %swap3A_388 = tpu.memref_slice %arg8[%select_n3A_139, %swap3A_386, %swap3A_387] : memref<2x16x128xf32, #tpu.memory_space<vmem>> -> memref<1x16x128xf32, #tpu.memory_space<vmem>>
        %swap3A_389 = tpu.memref_squeeze %swap3A_388 : memref<1x16x128xf32, #tpu.memory_space<vmem>> -> memref<16x128xf32, #tpu.memory_space<vmem>>
        %swap3A_390 = arith.index_cast %add3A_385 : i32 to index
        %swap3A_391 = arith.constant 16 : index
        %swap3A_392 = tpu.vector_load %swap3A_389[%swap3A_390, %swap3A_391] {strides = array<i32>} : memref<16x128xf32, #tpu.memory_space<vmem>>, vector<16xf32>,
        tpu.vector_store %swap3A_389[%swap3A_390, %swap3A_391], %gather3A_381 {strides = array<i32>} : memref<16x128xf32, #tpu.memory_space<vmem>>, vector<16xf32>,
        %mul3A_393 = arith.constant 16 : i32
        %mul3A_394 = arith.muli %scan3A_176, %mul3A_393 : i32
        %add3A_395 = arith.constant 10 : i32
        %add3A_396 = arith.addi %mul3A_394, %add3A_395 : i32
        %broadcast_in_dim3A_397 = vector.broadcast %add3A_396 : i32 to vector<16xi32>
        %iota3A_398 = tpu.iota {dimensions = array<i32: 0>} : vector<16xi32>
        %gather3A_399 = arith.constant 0 : i32
        %gather3A_400 = arith.constant 0 : i32
        %gather3A_401 = tpu.memref_slice %arg7[%select_n3A_123, %gather3A_399, %gather3A_400] : memref<2x16x128xf32, #tpu.memory_space<vmem>> -> memref<1x16x128xf32, #tpu.memory_space<vmem>>
        %gather3A_402 = tpu.memref_squeeze %gather3A_401 : memref<1x16x128xf32, #tpu.memory_space<vmem>> -> memref<16x128xf32, #tpu.memory_space<vmem>>
        %gather3A_403 = tpu.vector_load_idx %gather3A_402[%iota3A_398, %broadcast_in_dim3A_397] : memref<16x128xf32, #tpu.memory_space<vmem>>[vector<16xi32>, vector<16xi32>], vector<16xf32>,
        %mul3A_404 = arith.constant 2 : i32
        %mul3A_405 = arith.muli %mul3A_404, %scan3A_176 : i32
        %add3A_406 = arith.constant 1 : i32
        %add3A_407 = arith.addi %mul3A_405, %add3A_406 : i32
        %swap3A_408 = arith.constant 0 : i32
        %swap3A_409 = arith.constant 0 : i32
        %swap3A_410 = tpu.memref_slice %arg8[%select_n3A_139, %swap3A_408, %swap3A_409] : memref<2x16x128xf32, #tpu.memory_space<vmem>> -> memref<1x16x128xf32, #tpu.memory_space<vmem>>
        %swap3A_411 = tpu.memref_squeeze %swap3A_410 : memref<1x16x128xf32, #tpu.memory_space<vmem>> -> memref<16x128xf32, #tpu.memory_space<vmem>>
        %swap3A_412 = arith.index_cast %add3A_407 : i32 to index
        %swap3A_413 = arith.constant 32 : index
        %swap3A_414 = tpu.vector_load %swap3A_411[%swap3A_412, %swap3A_413] {strides = array<i32>} : memref<16x128xf32, #tpu.memory_space<vmem>>, vector<16xf32>,
        tpu.vector_store %swap3A_411[%swap3A_412, %swap3A_413], %gather3A_403 {strides = array<i32>} : memref<16x128xf32, #tpu.memory_space<vmem>>, vector<16xf32>,
        %mul3A_415 = arith.constant 16 : i32
        %mul3A_416 = arith.muli %scan3A_176, %mul3A_415 : i32
        %add3A_417 = arith.constant 11 : i32
        %add3A_418 = arith.addi %mul3A_416, %add3A_417 : i32
        %broadcast_in_dim3A_419 = vector.broadcast %add3A_418 : i32 to vector<16xi32>
        %iota3A_420 = tpu.iota {dimensions = array<i32: 0>} : vector<16xi32>
        %gather3A_421 = arith.constant 0 : i32
        %gather3A_422 = arith.constant 0 : i32
        %gather3A_423 = tpu.memref_slice %arg7[%select_n3A_123, %gather3A_421, %gather3A_422] : memref<2x16x128xf32, #tpu.memory_space<vmem>> -> memref<1x16x128xf32, #tpu.memory_space<vmem>>
        %gather3A_424 = tpu.memref_squeeze %gather3A_423 : memref<1x16x128xf32, #tpu.memory_space<vmem>> -> memref<16x128xf32, #tpu.memory_space<vmem>>
        %gather3A_425 = tpu.vector_load_idx %gather3A_424[%iota3A_420, %broadcast_in_dim3A_419] : memref<16x128xf32, #tpu.memory_space<vmem>>[vector<16xi32>, vector<16xi32>], vector<16xf32>,
        %mul3A_426 = arith.constant 2 : i32
        %mul3A_427 = arith.muli %mul3A_426, %scan3A_176 : i32
        %add3A_428 = arith.constant 1 : i32
        %add3A_429 = arith.addi %mul3A_427, %add3A_428 : i32
        %swap3A_430 = arith.constant 0 : i32
        %swap3A_431 = arith.constant 0 : i32
        %swap3A_432 = tpu.memref_slice %arg8[%select_n3A_139, %swap3A_430, %swap3A_431] : memref<2x16x128xf32, #tpu.memory_space<vmem>> -> memref<1x16x128xf32, #tpu.memory_space<vmem>>
        %swap3A_433 = tpu.memref_squeeze %swap3A_432 : memref<1x16x128xf32, #tpu.memory_space<vmem>> -> memref<16x128xf32, #tpu.memory_space<vmem>>
        %swap3A_434 = arith.index_cast %add3A_429 : i32 to index
        %swap3A_435 = arith.constant 48 : index
        %swap3A_436 = tpu.vector_load %swap3A_433[%swap3A_434, %swap3A_435] {strides = array<i32>} : memref<16x128xf32, #tpu.memory_space<vmem>>, vector<16xf32>,
        tpu.vector_store %swap3A_433[%swap3A_434, %swap3A_435], %gather3A_425 {strides = array<i32>} : memref<16x128xf32, #tpu.memory_space<vmem>>, vector<16xf32>,
        %mul3A_437 = arith.constant 16 : i32
        %mul3A_438 = arith.muli %scan3A_176, %mul3A_437 : i32
        %add3A_439 = arith.constant 12 : i32
        %add3A_440 = arith.addi %mul3A_438, %add3A_439 : i32
        %broadcast_in_dim3A_441 = vector.broadcast %add3A_440 : i32 to vector<16xi32>
        %iota3A_442 = tpu.iota {dimensions = array<i32: 0>} : vector<16xi32>
        %gather3A_443 = arith.constant 0 : i32
        %gather3A_444 = arith.constant 0 : i32
        %gather3A_445 = tpu.memref_slice %arg7[%select_n3A_123, %gather3A_443, %gather3A_444] : memref<2x16x128xf32, #tpu.memory_space<vmem>> -> memref<1x16x128xf32, #tpu.memory_space<vmem>>
        %gather3A_446 = tpu.memref_squeeze %gather3A_445 : memref<1x16x128xf32, #tpu.memory_space<vmem>> -> memref<16x128xf32, #tpu.memory_space<vmem>>
        %gather3A_447 = tpu.vector_load_idx %gather3A_446[%iota3A_442, %broadcast_in_dim3A_441] : memref<16x128xf32, #tpu.memory_space<vmem>>[vector<16xi32>, vector<16xi32>], vector<16xf32>,
        %mul3A_448 = arith.constant 2 : i32
        %mul3A_449 = arith.muli %mul3A_448, %scan3A_176 : i32
        %add3A_450 = arith.constant 1 : i32
        %add3A_451 = arith.addi %mul3A_449, %add3A_450 : i32
        %swap3A_452 = arith.constant 0 : i32
        %swap3A_453 = arith.constant 0 : i32
        %swap3A_454 = tpu.memref_slice %arg8[%select_n3A_139, %swap3A_452, %swap3A_453] : memref<2x16x128xf32, #tpu.memory_space<vmem>> -> memref<1x16x128xf32, #tpu.memory_space<vmem>>
        %swap3A_455 = tpu.memref_squeeze %swap3A_454 : memref<1x16x128xf32, #tpu.memory_space<vmem>> -> memref<16x128xf32, #tpu.memory_space<vmem>>
        %swap3A_456 = arith.index_cast %add3A_451 : i32 to index
        %swap3A_457 = arith.constant 64 : index
        %swap3A_458 = tpu.vector_load %swap3A_455[%swap3A_456, %swap3A_457] {strides = array<i32>} : memref<16x128xf32, #tpu.memory_space<vmem>>, vector<16xf32>,
        tpu.vector_store %swap3A_455[%swap3A_456, %swap3A_457], %gather3A_447 {strides = array<i32>} : memref<16x128xf32, #tpu.memory_space<vmem>>, vector<16xf32>,
        %mul3A_459 = arith.constant 16 : i32
        %mul3A_460 = arith.muli %scan3A_176, %mul3A_459 : i32
        %add3A_461 = arith.constant 13 : i32
        %add3A_462 = arith.addi %mul3A_460, %add3A_461 : i32
        %broadcast_in_dim3A_463 = vector.broadcast %add3A_462 : i32 to vector<16xi32>
        %iota3A_464 = tpu.iota {dimensions = array<i32: 0>} : vector<16xi32>
        %gather3A_465 = arith.constant 0 : i32
        %gather3A_466 = arith.constant 0 : i32
        %gather3A_467 = tpu.memref_slice %arg7[%select_n3A_123, %gather3A_465, %gather3A_466] : memref<2x16x128xf32, #tpu.memory_space<vmem>> -> memref<1x16x128xf32, #tpu.memory_space<vmem>>
        %gather3A_468 = tpu.memref_squeeze %gather3A_467 : memref<1x16x128xf32, #tpu.memory_space<vmem>> -> memref<16x128xf32, #tpu.memory_space<vmem>>
        %gather3A_469 = tpu.vector_load_idx %gather3A_468[%iota3A_464, %broadcast_in_dim3A_463] : memref<16x128xf32, #tpu.memory_space<vmem>>[vector<16xi32>, vector<16xi32>], vector<16xf32>,
        %mul3A_470 = arith.constant 2 : i32
        %mul3A_471 = arith.muli %mul3A_470, %scan3A_176 : i32
        %add3A_472 = arith.constant 1 : i32
        %add3A_473 = arith.addi %mul3A_471, %add3A_472 : i32
        %swap3A_474 = arith.constant 0 : i32
        %swap3A_475 = arith.constant 0 : i32
        %swap3A_476 = tpu.memref_slice %arg8[%select_n3A_139, %swap3A_474, %swap3A_475] : memref<2x16x128xf32, #tpu.memory_space<vmem>> -> memref<1x16x128xf32, #tpu.memory_space<vmem>>
        %swap3A_477 = tpu.memref_squeeze %swap3A_476 : memref<1x16x128xf32, #tpu.memory_space<vmem>> -> memref<16x128xf32, #tpu.memory_space<vmem>>
        %swap3A_478 = arith.index_cast %add3A_473 : i32 to index
        %swap3A_479 = arith.constant 80 : index
        %swap3A_480 = tpu.vector_load %swap3A_477[%swap3A_478, %swap3A_479] {strides = array<i32>} : memref<16x128xf32, #tpu.memory_space<vmem>>, vector<16xf32>,
        tpu.vector_store %swap3A_477[%swap3A_478, %swap3A_479], %gather3A_469 {strides = array<i32>} : memref<16x128xf32, #tpu.memory_space<vmem>>, vector<16xf32>,
        %mul3A_481 = arith.constant 16 : i32
        %mul3A_482 = arith.muli %scan3A_176, %mul3A_481 : i32
        %add3A_483 = arith.constant 14 : i32
        %add3A_484 = arith.addi %mul3A_482, %add3A_483 : i32
        %broadcast_in_dim3A_485 = vector.broadcast %add3A_484 : i32 to vector<16xi32>
        %iota3A_486 = tpu.iota {dimensions = array<i32: 0>} : vector<16xi32>
        %gather3A_487 = arith.constant 0 : i32
        %gather3A_488 = arith.constant 0 : i32
        %gather3A_489 = tpu.memref_slice %arg7[%select_n3A_123, %gather3A_487, %gather3A_488] : memref<2x16x128xf32, #tpu.memory_space<vmem>> -> memref<1x16x128xf32, #tpu.memory_space<vmem>>
        %gather3A_490 = tpu.memref_squeeze %gather3A_489 : memref<1x16x128xf32, #tpu.memory_space<vmem>> -> memref<16x128xf32, #tpu.memory_space<vmem>>
        %gather3A_491 = tpu.vector_load_idx %gather3A_490[%iota3A_486, %broadcast_in_dim3A_485] : memref<16x128xf32, #tpu.memory_space<vmem>>[vector<16xi32>, vector<16xi32>], vector<16xf32>,
        %mul3A_492 = arith.constant 2 : i32
        %mul3A_493 = arith.muli %mul3A_492, %scan3A_176 : i32
        %add3A_494 = arith.constant 1 : i32
        %add3A_495 = arith.addi %mul3A_493, %add3A_494 : i32
        %swap3A_496 = arith.constant 0 : i32
        %swap3A_497 = arith.constant 0 : i32
        %swap3A_498 = tpu.memref_slice %arg8[%select_n3A_139, %swap3A_496, %swap3A_497] : memref<2x16x128xf32, #tpu.memory_space<vmem>> -> memref<1x16x128xf32, #tpu.memory_space<vmem>>
        %swap3A_499 = tpu.memref_squeeze %swap3A_498 : memref<1x16x128xf32, #tpu.memory_space<vmem>> -> memref<16x128xf32, #tpu.memory_space<vmem>>
        %swap3A_500 = arith.index_cast %add3A_495 : i32 to index
        %swap3A_501 = arith.constant 96 : index
        %swap3A_502 = tpu.vector_load %swap3A_499[%swap3A_500, %swap3A_501] {strides = array<i32>} : memref<16x128xf32, #tpu.memory_space<vmem>>, vector<16xf32>,
        tpu.vector_store %swap3A_499[%swap3A_500, %swap3A_501], %gather3A_491 {strides = array<i32>} : memref<16x128xf32, #tpu.memory_space<vmem>>, vector<16xf32>,
        %mul3A_503 = arith.constant 16 : i32
        %mul3A_504 = arith.muli %scan3A_176, %mul3A_503 : i32
        %add3A_505 = arith.constant 15 : i32
        %add3A_506 = arith.addi %mul3A_504, %add3A_505 : i32
        %broadcast_in_dim3A_507 = vector.broadcast %add3A_506 : i32 to vector<16xi32>
        %iota3A_508 = tpu.iota {dimensions = array<i32: 0>} : vector<16xi32>
        %gather3A_509 = arith.constant 0 : i32
        %gather3A_510 = arith.constant 0 : i32
        %gather3A_511 = tpu.memref_slice %arg7[%select_n3A_123, %gather3A_509, %gather3A_510] : memref<2x16x128xf32, #tpu.memory_space<vmem>> -> memref<1x16x128xf32, #tpu.memory_space<vmem>>
        %gather3A_512 = tpu.memref_squeeze %gather3A_511 : memref<1x16x128xf32, #tpu.memory_space<vmem>> -> memref<16x128xf32, #tpu.memory_space<vmem>>
        %gather3A_513 = tpu.vector_load_idx %gather3A_512[%iota3A_508, %broadcast_in_dim3A_507] : memref<16x128xf32, #tpu.memory_space<vmem>>[vector<16xi32>, vector<16xi32>], vector<16xf32>,
        %mul3A_514 = arith.constant 2 : i32
        %mul3A_515 = arith.muli %mul3A_514, %scan3A_176 : i32
        %add3A_516 = arith.constant 1 : i32
        %add3A_517 = arith.addi %mul3A_515, %add3A_516 : i32
        %swap3A_518 = arith.constant 0 : i32
        %swap3A_519 = arith.constant 0 : i32
        %swap3A_520 = tpu.memref_slice %arg8[%select_n3A_139, %swap3A_518, %swap3A_519] : memref<2x16x128xf32, #tpu.memory_space<vmem>> -> memref<1x16x128xf32, #tpu.memory_space<vmem>>
        %swap3A_521 = tpu.memref_squeeze %swap3A_520 : memref<1x16x128xf32, #tpu.memory_space<vmem>> -> memref<16x128xf32, #tpu.memory_space<vmem>>
        %swap3A_522 = arith.index_cast %add3A_517 : i32 to index
        %swap3A_523 = arith.constant 112 : index
        %swap3A_524 = tpu.vector_load %swap3A_521[%swap3A_522, %swap3A_523] {strides = array<i32>} : memref<16x128xf32, #tpu.memory_space<vmem>>, vector<16xf32>,
        tpu.vector_store %swap3A_521[%swap3A_522, %swap3A_523], %gather3A_513 {strides = array<i32>} : memref<16x128xf32, #tpu.memory_space<vmem>>, vector<16xf32>,
      }
      %scan3A_145 = arith.constant 8 : i32
      %jit3A_146 = arith.constant 2 : i32
      %eq3A_147 = arith.constant 0 : i32
      %eq3A_148 = arith.cmpi eq, %jit3A_146, %eq3A_147 : i32
      %jit3A_149 = arith.constant 1 : i32
      %select_n3A_150 = arith.select %eq3A_148, %jit3A_149, %jit3A_146 : i32
      %rem3A_151 = arith.remsi %while3A_68, %select_n3A_150 : i32
      %ne3A_152 = arith.constant 0 : i32
      %ne3A_153 = arith.cmpi ne, %rem3A_151, %ne3A_152 : i32
      %lt3A_154 = arith.constant 0 : i32
      %lt3A_155 = arith.cmpi slt, %rem3A_151, %lt3A_154 : i32
      %lt3A_156 = arith.constant 0 : i32
      %lt3A_157 = arith.cmpi slt, %select_n3A_150, %lt3A_156 : i32
      %ne3A_158 = arith.xori %lt3A_155, %lt3A_157 : i1
      %and3A_159 = arith.andi %ne3A_158, %ne3A_153 : i1
      %add3A_160 = arith.addi %rem3A_151, %select_n3A_150 : i32
      %select_n3A_161 = arith.select %and3A_159, %add3A_160, %rem3A_151 : i32
      %mul3A_162 = arith.constant 16 : i32
      %mul3A_163 = arith.muli %add3A_69, %mul3A_162 : i32
      %dma_start3A_164 = arith.constant 0 : i32
      %dma_start3A_165 = arith.constant 0 : i32
      %dma_start3A_166 = tpu.memref_slice %arg8[%select_n3A_161, %dma_start3A_164, %dma_start3A_165] : memref<2x16x128xf32, #tpu.memory_space<vmem>> -> memref<1x16x128xf32, #tpu.memory_space<vmem>>
      %dma_start3A_167 = tpu.memref_squeeze %dma_start3A_166 : memref<1x16x128xf32, #tpu.memory_space<vmem>> -> memref<16x128xf32, #tpu.memory_space<vmem>>
      %dma_start3A_168 = arith.constant 0 : i32
      %dma_start3A_169 = tpu.memref_slice %arg5[%mul3A_163, %dma_start3A_168] : memref<325000x128xf32, #tpu.memory_space<hbm>> -> memref<16x128xf32, #tpu.memory_space<hbm>>
      %dma_start3A_170 = arith.constant 0 : i32
      %dma_start3A_171 = tpu.memref_slice %arg5[%mul3A_163, %dma_start3A_170] : memref<325000x128xf32, #tpu.memory_space<hbm>> -> memref<16x128xf32, #tpu.memory_space<hbm>>
      %dma_start3A_172 = arith.constant 0 : i32
      %dma_start3A_173 = arith.constant 0 : i32
      %dma_start3A_174 = tpu.memref_slice %arg8[%select_n3A_161, %dma_start3A_172, %dma_start3A_173] : memref<2x16x128xf32, #tpu.memory_space<vmem>> -> memref<1x16x128xf32, #tpu.memory_space<vmem>>
      %dma_start3A_175 = tpu.memref_squeeze %dma_start3A_174 : memref<1x16x128xf32, #tpu.memory_space<vmem>> -> memref<16x128xf32, #tpu.memory_space<vmem>>
      tpu.enqueue_dma source(%dma_start3A_175 : memref<16x128xf32, #tpu.memory_space<vmem>>) target(%dma_start3A_171 : memref<16x128xf32, #tpu.memory_space<hbm>>) target_semaphore(%arg12 : memref<!tpu.dma_semaphore, #tpu.memory_space<semaphore_mem>>)
    }
    %while3A_31 = arith.constant 1 : i32
    scf.for %while3A_68 = %while3A_29 to %while3A_25 step %while3A_31  : i32 {
      %add3A_69 = arith.addi %add3A_6, %while3A_68 : i32
      %mul3A_70 = arith.constant 128 : i32
      %mul3A_71 = arith.muli %add3A_69, %mul3A_70 : i32
      %jit3A_72 = arith.constant 2 : i32
      %eq3A_73 = arith.constant 0 : i32
      %eq3A_74 = arith.cmpi eq, %jit3A_72, %eq3A_73 : i32
      %jit3A_75 = arith.constant 1 : i32
      %select_n3A_76 = arith.select %eq3A_74, %jit3A_75, %jit3A_72 : i32
      %rem3A_77 = arith.remsi %while3A_68, %select_n3A_76 : i32
      %ne3A_78 = arith.constant 0 : i32
      %ne3A_79 = arith.cmpi ne, %rem3A_77, %ne3A_78 : i32
      %lt3A_80 = arith.constant 0 : i32
      %lt3A_81 = arith.cmpi slt, %rem3A_77, %lt3A_80 : i32
      %lt3A_82 = arith.constant 0 : i32
      %lt3A_83 = arith.cmpi slt, %select_n3A_76, %lt3A_82 : i32
      %ne3A_84 = arith.xori %lt3A_81, %lt3A_83 : i1
      %and3A_85 = arith.andi %ne3A_84, %ne3A_79 : i1
      %add3A_86 = arith.addi %rem3A_77, %select_n3A_76 : i32
      %select_n3A_87 = arith.select %and3A_85, %add3A_86, %rem3A_77 : i32
      %dma_wait3A_88 = arith.constant 0 : i32
      %dma_wait3A_89 = arith.constant 0 : i32
      %dma_wait3A_90 = tpu.memref_slice %arg7[%select_n3A_87, %dma_wait3A_88, %dma_wait3A_89] : memref<2x16x128xf32, #tpu.memory_space<vmem>> -> memref<1x16x128xf32, #tpu.memory_space<vmem>>
      %dma_wait3A_91 = tpu.memref_squeeze %dma_wait3A_90 : memref<1x16x128xf32, #tpu.memory_space<vmem>> -> memref<16x128xf32, #tpu.memory_space<vmem>>
      %dma_wait3A_92 = arith.constant 0 : i32
      %dma_wait3A_93 = tpu.memref_slice %arg2[%dma_wait3A_92, %mul3A_71] : memref<16x2600000xf32, #tpu.memory_space<hbm>> -> memref<16x128xf32, #tpu.memory_space<hbm>>
      %dma_wait3A_94 = arith.constant 0 : i32
      %dma_wait3A_95 = arith.constant 0 : i32
      %dma_wait3A_96 = tpu.memref_slice %arg7[%select_n3A_87, %dma_wait3A_94, %dma_wait3A_95] : memref<2x16x128xf32, #tpu.memory_space<vmem>> -> memref<1x16x128xf32, #tpu.memory_space<vmem>>
      %dma_wait3A_97 = tpu.memref_squeeze %dma_wait3A_96 : memref<1x16x128xf32, #tpu.memory_space<vmem>> -> memref<16x128xf32, #tpu.memory_space<vmem>>
      %dma_wait3A_98 = arith.constant 0 : i32
      %dma_wait3A_99 = tpu.memref_slice %arg2[%dma_wait3A_98, %mul3A_71] : memref<16x2600000xf32, #tpu.memory_space<hbm>> -> memref<16x128xf32, #tpu.memory_space<hbm>>
      tpu.wait_dma2 semaphore(%arg11 : memref<!tpu.dma_semaphore, #tpu.memory_space<semaphore_mem>>) src(%dma_wait3A_99 : memref<16x128xf32, #tpu.memory_space<hbm>>) dst(%dma_wait3A_97 : memref<16x128xf32, #tpu.memory_space<vmem>>)
      %add3A_100 = arith.constant 1 : i32
      %add3A_101 = arith.addi %while3A_68, %add3A_100 : i32
      %lt3A_102 = arith.cmpi slt, %add3A_101, %select_n3A : i32
      %convert_element_type3A = arith.extui %lt3A_102 : i1 to i32
      %cond3A = arith.constant 0 : i32
      %cond3A_103 = arith.cmpi ne, %convert_element_type3A, %cond3A : i32
      scf.if %cond3A_103 {
        %add3A_176 = arith.constant 1 : i32
        %add3A_177 = arith.addi %add3A_69, %add3A_176 : i32
        %mul3A_178 = arith.constant 128 : i32
        %mul3A_179 = arith.muli %add3A_177, %mul3A_178 : i32
        %add3A_180 = arith.constant 1 : i32
        %add3A_181 = arith.addi %while3A_68, %add3A_180 : i32
        %jit3A_182 = arith.constant 2 : i32
        %eq3A_183 = arith.constant 0 : i32
        %eq3A_184 = arith.cmpi eq, %jit3A_182, %eq3A_183 : i32
        %jit3A_185 = arith.constant 1 : i32
        %select_n3A_186 = arith.select %eq3A_184, %jit3A_185, %jit3A_182 : i32
        %rem3A_187 = arith.remsi %add3A_181, %select_n3A_186 : i32
        %ne3A_188 = arith.constant 0 : i32
        %ne3A_189 = arith.cmpi ne, %rem3A_187, %ne3A_188 : i32
        %lt3A_190 = arith.constant 0 : i32
        %lt3A_191 = arith.cmpi slt, %rem3A_187, %lt3A_190 : i32
        %lt3A_192 = arith.constant 0 : i32
        %lt3A_193 = arith.cmpi slt, %select_n3A_186, %lt3A_192 : i32
        %ne3A_194 = arith.xori %lt3A_191, %lt3A_193 : i1
        %and3A_195 = arith.andi %ne3A_194, %ne3A_189 : i1
        %add3A_196 = arith.addi %rem3A_187, %select_n3A_186 : i32
        %select_n3A_197 = arith.select %and3A_195, %add3A_196, %rem3A_187 : i32
        %dma_start3A_198 = arith.constant 0 : i32
        %dma_start3A_199 = arith.constant 0 : i32
        %dma_start3A_200 = tpu.memref_slice %arg7[%select_n3A_197, %dma_start3A_198, %dma_start3A_199] : memref<2x16x128xf32, #tpu.memory_space<vmem>> -> memref<1x16x128xf32, #tpu.memory_space<vmem>>
        %dma_start3A_201 = tpu.memref_squeeze %dma_start3A_200 : memref<1x16x128xf32, #tpu.memory_space<vmem>> -> memref<16x128xf32, #tpu.memory_space<vmem>>
        %dma_start3A_202 = arith.constant 0 : i32
        %dma_start3A_203 = tpu.memref_slice %arg2[%dma_start3A_202, %mul3A_179] : memref<16x2600000xf32, #tpu.memory_space<hbm>> -> memref<16x128xf32, #tpu.memory_space<hbm>>
        %dma_start3A_204 = arith.constant 0 : i32
        %dma_start3A_205 = arith.constant 0 : i32
        %dma_start3A_206 = tpu.memref_slice %arg7[%select_n3A_197, %dma_start3A_204, %dma_start3A_205] : memref<2x16x128xf32, #tpu.memory_space<vmem>> -> memref<1x16x128xf32, #tpu.memory_space<vmem>>
        %dma_start3A_207 = tpu.memref_squeeze %dma_start3A_206 : memref<1x16x128xf32, #tpu.memory_space<vmem>> -> memref<16x128xf32, #tpu.memory_space<vmem>>
        %dma_start3A_208 = arith.constant 0 : i32
        %dma_start3A_209 = tpu.memref_slice %arg2[%dma_start3A_208, %mul3A_179] : memref<16x2600000xf32, #tpu.memory_space<hbm>> -> memref<16x128xf32, #tpu.memory_space<hbm>>
        tpu.enqueue_dma source(%dma_start3A_209 : memref<16x128xf32, #tpu.memory_space<hbm>>) target(%dma_start3A_207 : memref<16x128xf32, #tpu.memory_space<vmem>>) target_semaphore(%arg11 : memref<!tpu.dma_semaphore, #tpu.memory_space<semaphore_mem>>)
      } else {
      }
      %ge3A = arith.constant 1 : i32
      %ge3A_104 = arith.cmpi sge, %while3A_68, %ge3A : i32
      %convert_element_type3A_105 = arith.extui %ge3A_104 : i1 to i32
      %cond3A_106 = arith.constant 0 : i32
      %cond3A_107 = arith.cmpi ne, %convert_element_type3A_105, %cond3A_106 : i32
      scf.if %cond3A_107 {
        %sub3A_176 = arith.constant 1 : i32
        %sub3A_177 = arith.subi %while3A_68, %sub3A_176 : i32
        %jit3A_178 = arith.constant 2 : i32
        %eq3A_179 = arith.constant 0 : i32
        %eq3A_180 = arith.cmpi eq, %jit3A_178, %eq3A_179 : i32
        %jit3A_181 = arith.constant 1 : i32
        %select_n3A_182 = arith.select %eq3A_180, %jit3A_181, %jit3A_178 : i32
        %rem3A_183 = arith.remsi %sub3A_177, %select_n3A_182 : i32
        %ne3A_184 = arith.constant 0 : i32
        %ne3A_185 = arith.cmpi ne, %rem3A_183, %ne3A_184 : i32
        %lt3A_186 = arith.constant 0 : i32
        %lt3A_187 = arith.cmpi slt, %rem3A_183, %lt3A_186 : i32
        %lt3A_188 = arith.constant 0 : i32
        %lt3A_189 = arith.cmpi slt, %select_n3A_182, %lt3A_188 : i32
        %ne3A_190 = arith.xori %lt3A_187, %lt3A_189 : i1
        %and3A_191 = arith.andi %ne3A_190, %ne3A_185 : i1
        %add3A_192 = arith.addi %rem3A_183, %select_n3A_182 : i32
        %select_n3A_193 = arith.select %and3A_191, %add3A_192, %rem3A_183 : i32
        %sub3A_194 = arith.constant 1 : i32
        %sub3A_195 = arith.subi %add3A_69, %sub3A_194 : i32
        %mul3A_196 = arith.constant 16 : i32
        %mul3A_197 = arith.muli %sub3A_195, %mul3A_196 : i32
        %dma_wait3A_198 = arith.constant 0 : i32
        %dma_wait3A_199 = arith.constant 0 : i32
        %dma_wait3A_200 = tpu.memref_slice %arg8[%select_n3A_193, %dma_wait3A_198, %dma_wait3A_199] : memref<2x16x128xf32, #tpu.memory_space<vmem>> -> memref<1x16x128xf32, #tpu.memory_space<vmem>>
        %dma_wait3A_201 = tpu.memref_squeeze %dma_wait3A_200 : memref<1x16x128xf32, #tpu.memory_space<vmem>> -> memref<16x128xf32, #tpu.memory_space<vmem>>
        %dma_wait3A_202 = arith.constant 0 : i32
        %dma_wait3A_203 = tpu.memref_slice %arg5[%mul3A_197, %dma_wait3A_202] : memref<325000x128xf32, #tpu.memory_space<hbm>> -> memref<16x128xf32, #tpu.memory_space<hbm>>
        %dma_wait3A_204 = arith.constant 0 : i32
        %dma_wait3A_205 = tpu.memref_slice %arg5[%mul3A_197, %dma_wait3A_204] : memref<325000x128xf32, #tpu.memory_space<hbm>> -> memref<16x128xf32, #tpu.memory_space<hbm>>
        %dma_wait3A_206 = arith.constant 0 : i32
        %dma_wait3A_207 = arith.constant 0 : i32
        %dma_wait3A_208 = tpu.memref_slice %arg8[%select_n3A_193, %dma_wait3A_206, %dma_wait3A_207] : memref<2x16x128xf32, #tpu.memory_space<vmem>> -> memref<1x16x128xf32, #tpu.memory_space<vmem>>
        %dma_wait3A_209 = tpu.memref_squeeze %dma_wait3A_208 : memref<1x16x128xf32, #tpu.memory_space<vmem>> -> memref<16x128xf32, #tpu.memory_space<vmem>>
        tpu.wait_dma2 semaphore(%arg12 : memref<!tpu.dma_semaphore, #tpu.memory_space<semaphore_mem>>) src(%dma_wait3A_209 : memref<16x128xf32, #tpu.memory_space<vmem>>) dst(%dma_wait3A_205 : memref<16x128xf32, #tpu.memory_space<hbm>>)
      } else {
      }
      %jit3A_108 = arith.constant 2 : i32
      %eq3A_109 = arith.constant 0 : i32
      %eq3A_110 = arith.cmpi eq, %jit3A_108, %eq3A_109 : i32
      %jit3A_111 = arith.constant 1 : i32
      %select_n3A_112 = arith.select %eq3A_110, %jit3A_111, %jit3A_108 : i32
      %rem3A_113 = arith.remsi %while3A_68, %select_n3A_112 : i32
      %ne3A_114 = arith.constant 0 : i32
      %ne3A_115 = arith.cmpi ne, %rem3A_113, %ne3A_114 : i32
      %lt3A_116 = arith.constant 0 : i32
      %lt3A_117 = arith.cmpi slt, %rem3A_113, %lt3A_116 : i32
      %lt3A_118 = arith.constant 0 : i32
      %lt3A_119 = arith.cmpi slt, %select_n3A_112, %lt3A_118 : i32
      %ne3A_120 = arith.xori %lt3A_117, %lt3A_119 : i1
      %and3A_121 = arith.andi %ne3A_120, %ne3A_115 : i1
      %add3A_122 = arith.addi %rem3A_113, %select_n3A_112 : i32
      %select_n3A_123 = arith.select %and3A_121, %add3A_122, %rem3A_113 : i32
      %jit3A_124 = arith.constant 2 : i32
      %eq3A_125 = arith.constant 0 : i32
      %eq3A_126 = arith.cmpi eq, %jit3A_124, %eq3A_125 : i32
      %jit3A_127 = arith.constant 1 : i32
      %select_n3A_128 = arith.select %eq3A_126, %jit3A_127, %jit3A_124 : i32
      %rem3A_129 = arith.remsi %while3A_68, %select_n3A_128 : i32
      %ne3A_130 = arith.constant 0 : i32
      %ne3A_131 = arith.cmpi ne, %rem3A_129, %ne3A_130 : i32
      %lt3A_132 = arith.constant 0 : i32
      %lt3A_133 = arith.cmpi slt, %rem3A_129, %lt3A_132 : i32
      %lt3A_134 = arith.constant 0 : i32
      %lt3A_135 = arith.cmpi slt, %select_n3A_128, %lt3A_134 : i32
      %ne3A_136 = arith.xori %lt3A_133, %lt3A_135 : i1
      %and3A_137 = arith.andi %ne3A_136, %ne3A_131 : i1
      %add3A_138 = arith.addi %rem3A_129, %select_n3A_128 : i32
      %select_n3A_139 = arith.select %and3A_137, %add3A_138, %rem3A_129 : i32
      %scan3A_140 = arith.constant 0 : i32
      %scan3A_141 = arith.constant 0 : i32
      %scan3A_142 = arith.constant 8 : i32
      %scan3A_143 = arith.addi %scan3A_141, %scan3A_142 : i32
      %scan3A_144 = arith.constant 1 : i32
      scf.for %scan3A_176 = %scan3A_141 to %scan3A_143 step %scan3A_144  : i32 {
        %mul3A_177 = arith.constant 16 : i32
        %mul3A_178 = arith.muli %scan3A_176, %mul3A_177 : i32
        %add3A_179 = arith.constant 0 : i32
        %add3A_180 = arith.addi %mul3A_178, %add3A_179 : i32
        %broadcast_in_dim3A = vector.broadcast %add3A_180 : i32 to vector<16xi32>
        %iota3A = tpu.iota {dimensions = array<i32: 0>} : vector<16xi32>
        %gather3A = arith.constant 0 : i32
        %gather3A_181 = arith.constant 0 : i32
        %gather3A_182 = tpu.memref_slice %arg7[%select_n3A_123, %gather3A, %gather3A_181] : memref<2x16x128xf32, #tpu.memory_space<vmem>> -> memref<1x16x128xf32, #tpu.memory_space<vmem>>
        %gather3A_183 = tpu.memref_squeeze %gather3A_182 : memref<1x16x128xf32, #tpu.memory_space<vmem>> -> memref<16x128xf32, #tpu.memory_space<vmem>>
        %gather3A_184 = tpu.vector_load_idx %gather3A_183[%iota3A, %broadcast_in_dim3A] : memref<16x128xf32, #tpu.memory_space<vmem>>[vector<16xi32>, vector<16xi32>], vector<16xf32>,
        %mul3A_185 = arith.constant 2 : i32
        %mul3A_186 = arith.muli %mul3A_185, %scan3A_176 : i32
        %add3A_187 = arith.constant 0 : i32
        %add3A_188 = arith.addi %mul3A_186, %add3A_187 : i32
        %swap3A = arith.constant 0 : i32
        %swap3A_189 = arith.constant 0 : i32
        %swap3A_190 = tpu.memref_slice %arg8[%select_n3A_139, %swap3A, %swap3A_189] : memref<2x16x128xf32, #tpu.memory_space<vmem>> -> memref<1x16x128xf32, #tpu.memory_space<vmem>>
        %swap3A_191 = tpu.memref_squeeze %swap3A_190 : memref<1x16x128xf32, #tpu.memory_space<vmem>> -> memref<16x128xf32, #tpu.memory_space<vmem>>
        %swap3A_192 = arith.index_cast %add3A_188 : i32 to index
        %swap3A_193 = arith.constant 0 : index
        %swap3A_194 = tpu.vector_load %swap3A_191[%swap3A_192, %swap3A_193] {strides = array<i32>} : memref<16x128xf32, #tpu.memory_space<vmem>>, vector<16xf32>,
        tpu.vector_store %swap3A_191[%swap3A_192, %swap3A_193], %gather3A_184 {strides = array<i32>} : memref<16x128xf32, #tpu.memory_space<vmem>>, vector<16xf32>,
        %mul3A_195 = arith.constant 16 : i32
        %mul3A_196 = arith.muli %scan3A_176, %mul3A_195 : i32
        %add3A_197 = arith.constant 1 : i32
        %add3A_198 = arith.addi %mul3A_196, %add3A_197 : i32
        %broadcast_in_dim3A_199 = vector.broadcast %add3A_198 : i32 to vector<16xi32>
        %iota3A_200 = tpu.iota {dimensions = array<i32: 0>} : vector<16xi32>
        %gather3A_201 = arith.constant 0 : i32
        %gather3A_202 = arith.constant 0 : i32
        %gather3A_203 = tpu.memref_slice %arg7[%select_n3A_123, %gather3A_201, %gather3A_202] : memref<2x16x128xf32, #tpu.memory_space<vmem>> -> memref<1x16x128xf32, #tpu.memory_space<vmem>>
        %gather3A_204 = tpu.memref_squeeze %gather3A_203 : memref<1x16x128xf32, #tpu.memory_space<vmem>> -> memref<16x128xf32, #tpu.memory_space<vmem>>
        %gather3A_205 = tpu.vector_load_idx %gather3A_204[%iota3A_200, %broadcast_in_dim3A_199] : memref<16x128xf32, #tpu.memory_space<vmem>>[vector<16xi32>, vector<16xi32>], vector<16xf32>,
        %mul3A_206 = arith.constant 2 : i32
        %mul3A_207 = arith.muli %mul3A_206, %scan3A_176 : i32
        %add3A_208 = arith.constant 0 : i32
        %add3A_209 = arith.addi %mul3A_207, %add3A_208 : i32
        %swap3A_210 = arith.constant 0 : i32
        %swap3A_211 = arith.constant 0 : i32
        %swap3A_212 = tpu.memref_slice %arg8[%select_n3A_139, %swap3A_210, %swap3A_211] : memref<2x16x128xf32, #tpu.memory_space<vmem>> -> memref<1x16x128xf32, #tpu.memory_space<vmem>>
        %swap3A_213 = tpu.memref_squeeze %swap3A_212 : memref<1x16x128xf32, #tpu.memory_space<vmem>> -> memref<16x128xf32, #tpu.memory_space<vmem>>
        %swap3A_214 = arith.index_cast %add3A_209 : i32 to index
        %swap3A_215 = arith.constant 16 : index
        %swap3A_216 = tpu.vector_load %swap3A_213[%swap3A_214, %swap3A_215] {strides = array<i32>} : memref<16x128xf32, #tpu.memory_space<vmem>>, vector<16xf32>,
        tpu.vector_store %swap3A_213[%swap3A_214, %swap3A_215], %gather3A_205 {strides = array<i32>} : memref<16x128xf32, #tpu.memory_space<vmem>>, vector<16xf32>,
        %mul3A_217 = arith.constant 16 : i32
        %mul3A_218 = arith.muli %scan3A_176, %mul3A_217 : i32
        %add3A_219 = arith.constant 2 : i32
        %add3A_220 = arith.addi %mul3A_218, %add3A_219 : i32
        %broadcast_in_dim3A_221 = vector.broadcast %add3A_220 : i32 to vector<16xi32>
        %iota3A_222 = tpu.iota {dimensions = array<i32: 0>} : vector<16xi32>
        %gather3A_223 = arith.constant 0 : i32
        %gather3A_224 = arith.constant 0 : i32
        %gather3A_225 = tpu.memref_slice %arg7[%select_n3A_123, %gather3A_223, %gather3A_224] : memref<2x16x128xf32, #tpu.memory_space<vmem>> -> memref<1x16x128xf32, #tpu.memory_space<vmem>>
        %gather3A_226 = tpu.memref_squeeze %gather3A_225 : memref<1x16x128xf32, #tpu.memory_space<vmem>> -> memref<16x128xf32, #tpu.memory_space<vmem>>
        %gather3A_227 = tpu.vector_load_idx %gather3A_226[%iota3A_222, %broadcast_in_dim3A_221] : memref<16x128xf32, #tpu.memory_space<vmem>>[vector<16xi32>, vector<16xi32>], vector<16xf32>,
        %mul3A_228 = arith.constant 2 : i32
        %mul3A_229 = arith.muli %mul3A_228, %scan3A_176 : i32
        %add3A_230 = arith.constant 0 : i32
        %add3A_231 = arith.addi %mul3A_229, %add3A_230 : i32
        %swap3A_232 = arith.constant 0 : i32
        %swap3A_233 = arith.constant 0 : i32
        %swap3A_234 = tpu.memref_slice %arg8[%select_n3A_139, %swap3A_232, %swap3A_233] : memref<2x16x128xf32, #tpu.memory_space<vmem>> -> memref<1x16x128xf32, #tpu.memory_space<vmem>>
        %swap3A_235 = tpu.memref_squeeze %swap3A_234 : memref<1x16x128xf32, #tpu.memory_space<vmem>> -> memref<16x128xf32, #tpu.memory_space<vmem>>
        %swap3A_236 = arith.index_cast %add3A_231 : i32 to index
        %swap3A_237 = arith.constant 32 : index
        %swap3A_238 = tpu.vector_load %swap3A_235[%swap3A_236, %swap3A_237] {strides = array<i32>} : memref<16x128xf32, #tpu.memory_space<vmem>>, vector<16xf32>,
        tpu.vector_store %swap3A_235[%swap3A_236, %swap3A_237], %gather3A_227 {strides = array<i32>} : memref<16x128xf32, #tpu.memory_space<vmem>>, vector<16xf32>,
        %mul3A_239 = arith.constant 16 : i32
        %mul3A_240 = arith.muli %scan3A_176, %mul3A_239 : i32
        %add3A_241 = arith.constant 3 : i32
        %add3A_242 = arith.addi %mul3A_240, %add3A_241 : i32
        %broadcast_in_dim3A_243 = vector.broadcast %add3A_242 : i32 to vector<16xi32>
        %iota3A_244 = tpu.iota {dimensions = array<i32: 0>} : vector<16xi32>
        %gather3A_245 = arith.constant 0 : i32
        %gather3A_246 = arith.constant 0 : i32
        %gather3A_247 = tpu.memref_slice %arg7[%select_n3A_123, %gather3A_245, %gather3A_246] : memref<2x16x128xf32, #tpu.memory_space<vmem>> -> memref<1x16x128xf32, #tpu.memory_space<vmem>>
        %gather3A_248 = tpu.memref_squeeze %gather3A_247 : memref<1x16x128xf32, #tpu.memory_space<vmem>> -> memref<16x128xf32, #tpu.memory_space<vmem>>
        %gather3A_249 = tpu.vector_load_idx %gather3A_248[%iota3A_244, %broadcast_in_dim3A_243] : memref<16x128xf32, #tpu.memory_space<vmem>>[vector<16xi32>, vector<16xi32>], vector<16xf32>,
        %mul3A_250 = arith.constant 2 : i32
        %mul3A_251 = arith.muli %mul3A_250, %scan3A_176 : i32
        %add3A_252 = arith.constant 0 : i32
        %add3A_253 = arith.addi %mul3A_251, %add3A_252 : i32
        %swap3A_254 = arith.constant 0 : i32
        %swap3A_255 = arith.constant 0 : i32
        %swap3A_256 = tpu.memref_slice %arg8[%select_n3A_139, %swap3A_254, %swap3A_255] : memref<2x16x128xf32, #tpu.memory_space<vmem>> -> memref<1x16x128xf32, #tpu.memory_space<vmem>>
        %swap3A_257 = tpu.memref_squeeze %swap3A_256 : memref<1x16x128xf32, #tpu.memory_space<vmem>> -> memref<16x128xf32, #tpu.memory_space<vmem>>
        %swap3A_258 = arith.index_cast %add3A_253 : i32 to index
        %swap3A_259 = arith.constant 48 : index
        %swap3A_260 = tpu.vector_load %swap3A_257[%swap3A_258, %swap3A_259] {strides = array<i32>} : memref<16x128xf32, #tpu.memory_space<vmem>>, vector<16xf32>,
        tpu.vector_store %swap3A_257[%swap3A_258, %swap3A_259], %gather3A_249 {strides = array<i32>} : memref<16x128xf32, #tpu.memory_space<vmem>>, vector<16xf32>,
        %mul3A_261 = arith.constant 16 : i32
        %mul3A_262 = arith.muli %scan3A_176, %mul3A_261 : i32
        %add3A_263 = arith.constant 4 : i32
        %add3A_264 = arith.addi %mul3A_262, %add3A_263 : i32
        %broadcast_in_dim3A_265 = vector.broadcast %add3A_264 : i32 to vector<16xi32>
        %iota3A_266 = tpu.iota {dimensions = array<i32: 0>} : vector<16xi32>
        %gather3A_267 = arith.constant 0 : i32
        %gather3A_268 = arith.constant 0 : i32
        %gather3A_269 = tpu.memref_slice %arg7[%select_n3A_123, %gather3A_267, %gather3A_268] : memref<2x16x128xf32, #tpu.memory_space<vmem>> -> memref<1x16x128xf32, #tpu.memory_space<vmem>>
        %gather3A_270 = tpu.memref_squeeze %gather3A_269 : memref<1x16x128xf32, #tpu.memory_space<vmem>> -> memref<16x128xf32, #tpu.memory_space<vmem>>
        %gather3A_271 = tpu.vector_load_idx %gather3A_270[%iota3A_266, %broadcast_in_dim3A_265] : memref<16x128xf32, #tpu.memory_space<vmem>>[vector<16xi32>, vector<16xi32>], vector<16xf32>,
        %mul3A_272 = arith.constant 2 : i32
        %mul3A_273 = arith.muli %mul3A_272, %scan3A_176 : i32
        %add3A_274 = arith.constant 0 : i32
        %add3A_275 = arith.addi %mul3A_273, %add3A_274 : i32
        %swap3A_276 = arith.constant 0 : i32
        %swap3A_277 = arith.constant 0 : i32
        %swap3A_278 = tpu.memref_slice %arg8[%select_n3A_139, %swap3A_276, %swap3A_277] : memref<2x16x128xf32, #tpu.memory_space<vmem>> -> memref<1x16x128xf32, #tpu.memory_space<vmem>>
        %swap3A_279 = tpu.memref_squeeze %swap3A_278 : memref<1x16x128xf32, #tpu.memory_space<vmem>> -> memref<16x128xf32, #tpu.memory_space<vmem>>
        %swap3A_280 = arith.index_cast %add3A_275 : i32 to index
        %swap3A_281 = arith.constant 64 : index
        %swap3A_282 = tpu.vector_load %swap3A_279[%swap3A_280, %swap3A_281] {strides = array<i32>} : memref<16x128xf32, #tpu.memory_space<vmem>>, vector<16xf32>,
        tpu.vector_store %swap3A_279[%swap3A_280, %swap3A_281], %gather3A_271 {strides = array<i32>} : memref<16x128xf32, #tpu.memory_space<vmem>>, vector<16xf32>,
        %mul3A_283 = arith.constant 16 : i32
        %mul3A_284 = arith.muli %scan3A_176, %mul3A_283 : i32
        %add3A_285 = arith.constant 5 : i32
        %add3A_286 = arith.addi %mul3A_284, %add3A_285 : i32
        %broadcast_in_dim3A_287 = vector.broadcast %add3A_286 : i32 to vector<16xi32>
        %iota3A_288 = tpu.iota {dimensions = array<i32: 0>} : vector<16xi32>
        %gather3A_289 = arith.constant 0 : i32
        %gather3A_290 = arith.constant 0 : i32
        %gather3A_291 = tpu.memref_slice %arg7[%select_n3A_123, %gather3A_289, %gather3A_290] : memref<2x16x128xf32, #tpu.memory_space<vmem>> -> memref<1x16x128xf32, #tpu.memory_space<vmem>>
        %gather3A_292 = tpu.memref_squeeze %gather3A_291 : memref<1x16x128xf32, #tpu.memory_space<vmem>> -> memref<16x128xf32, #tpu.memory_space<vmem>>
        %gather3A_293 = tpu.vector_load_idx %gather3A_292[%iota3A_288, %broadcast_in_dim3A_287] : memref<16x128xf32, #tpu.memory_space<vmem>>[vector<16xi32>, vector<16xi32>], vector<16xf32>,
        %mul3A_294 = arith.constant 2 : i32
        %mul3A_295 = arith.muli %mul3A_294, %scan3A_176 : i32
        %add3A_296 = arith.constant 0 : i32
        %add3A_297 = arith.addi %mul3A_295, %add3A_296 : i32
        %swap3A_298 = arith.constant 0 : i32
        %swap3A_299 = arith.constant 0 : i32
        %swap3A_300 = tpu.memref_slice %arg8[%select_n3A_139, %swap3A_298, %swap3A_299] : memref<2x16x128xf32, #tpu.memory_space<vmem>> -> memref<1x16x128xf32, #tpu.memory_space<vmem>>
        %swap3A_301 = tpu.memref_squeeze %swap3A_300 : memref<1x16x128xf32, #tpu.memory_space<vmem>> -> memref<16x128xf32, #tpu.memory_space<vmem>>
        %swap3A_302 = arith.index_cast %add3A_297 : i32 to index
        %swap3A_303 = arith.constant 80 : index
        %swap3A_304 = tpu.vector_load %swap3A_301[%swap3A_302, %swap3A_303] {strides = array<i32>} : memref<16x128xf32, #tpu.memory_space<vmem>>, vector<16xf32>,
        tpu.vector_store %swap3A_301[%swap3A_302, %swap3A_303], %gather3A_293 {strides = array<i32>} : memref<16x128xf32, #tpu.memory_space<vmem>>, vector<16xf32>,
        %mul3A_305 = arith.constant 16 : i32
        %mul3A_306 = arith.muli %scan3A_176, %mul3A_305 : i32
        %add3A_307 = arith.constant 6 : i32
        %add3A_308 = arith.addi %mul3A_306, %add3A_307 : i32
        %broadcast_in_dim3A_309 = vector.broadcast %add3A_308 : i32 to vector<16xi32>
        %iota3A_310 = tpu.iota {dimensions = array<i32: 0>} : vector<16xi32>
        %gather3A_311 = arith.constant 0 : i32
        %gather3A_312 = arith.constant 0 : i32
        %gather3A_313 = tpu.memref_slice %arg7[%select_n3A_123, %gather3A_311, %gather3A_312] : memref<2x16x128xf32, #tpu.memory_space<vmem>> -> memref<1x16x128xf32, #tpu.memory_space<vmem>>
        %gather3A_314 = tpu.memref_squeeze %gather3A_313 : memref<1x16x128xf32, #tpu.memory_space<vmem>> -> memref<16x128xf32, #tpu.memory_space<vmem>>
        %gather3A_315 = tpu.vector_load_idx %gather3A_314[%iota3A_310, %broadcast_in_dim3A_309] : memref<16x128xf32, #tpu.memory_space<vmem>>[vector<16xi32>, vector<16xi32>], vector<16xf32>,
        %mul3A_316 = arith.constant 2 : i32
        %mul3A_317 = arith.muli %mul3A_316, %scan3A_176 : i32
        %add3A_318 = arith.constant 0 : i32
        %add3A_319 = arith.addi %mul3A_317, %add3A_318 : i32
        %swap3A_320 = arith.constant 0 : i32
        %swap3A_321 = arith.constant 0 : i32
        %swap3A_322 = tpu.memref_slice %arg8[%select_n3A_139, %swap3A_320, %swap3A_321] : memref<2x16x128xf32, #tpu.memory_space<vmem>> -> memref<1x16x128xf32, #tpu.memory_space<vmem>>
        %swap3A_323 = tpu.memref_squeeze %swap3A_322 : memref<1x16x128xf32, #tpu.memory_space<vmem>> -> memref<16x128xf32, #tpu.memory_space<vmem>>
        %swap3A_324 = arith.index_cast %add3A_319 : i32 to index
        %swap3A_325 = arith.constant 96 : index
        %swap3A_326 = tpu.vector_load %swap3A_323[%swap3A_324, %swap3A_325] {strides = array<i32>} : memref<16x128xf32, #tpu.memory_space<vmem>>, vector<16xf32>,
        tpu.vector_store %swap3A_323[%swap3A_324, %swap3A_325], %gather3A_315 {strides = array<i32>} : memref<16x128xf32, #tpu.memory_space<vmem>>, vector<16xf32>,
        %mul3A_327 = arith.constant 16 : i32
        %mul3A_328 = arith.muli %scan3A_176, %mul3A_327 : i32
        %add3A_329 = arith.constant 7 : i32
        %add3A_330 = arith.addi %mul3A_328, %add3A_329 : i32
        %broadcast_in_dim3A_331 = vector.broadcast %add3A_330 : i32 to vector<16xi32>
        %iota3A_332 = tpu.iota {dimensions = array<i32: 0>} : vector<16xi32>
        %gather3A_333 = arith.constant 0 : i32
        %gather3A_334 = arith.constant 0 : i32
        %gather3A_335 = tpu.memref_slice %arg7[%select_n3A_123, %gather3A_333, %gather3A_334] : memref<2x16x128xf32, #tpu.memory_space<vmem>> -> memref<1x16x128xf32, #tpu.memory_space<vmem>>
        %gather3A_336 = tpu.memref_squeeze %gather3A_335 : memref<1x16x128xf32, #tpu.memory_space<vmem>> -> memref<16x128xf32, #tpu.memory_space<vmem>>
        %gather3A_337 = tpu.vector_load_idx %gather3A_336[%iota3A_332, %broadcast_in_dim3A_331] : memref<16x128xf32, #tpu.memory_space<vmem>>[vector<16xi32>, vector<16xi32>], vector<16xf32>,
        %mul3A_338 = arith.constant 2 : i32
        %mul3A_339 = arith.muli %mul3A_338, %scan3A_176 : i32
        %add3A_340 = arith.constant 0 : i32
        %add3A_341 = arith.addi %mul3A_339, %add3A_340 : i32
        %swap3A_342 = arith.constant 0 : i32
        %swap3A_343 = arith.constant 0 : i32
        %swap3A_344 = tpu.memref_slice %arg8[%select_n3A_139, %swap3A_342, %swap3A_343] : memref<2x16x128xf32, #tpu.memory_space<vmem>> -> memref<1x16x128xf32, #tpu.memory_space<vmem>>
        %swap3A_345 = tpu.memref_squeeze %swap3A_344 : memref<1x16x128xf32, #tpu.memory_space<vmem>> -> memref<16x128xf32, #tpu.memory_space<vmem>>
        %swap3A_346 = arith.index_cast %add3A_341 : i32 to index
        %swap3A_347 = arith.constant 112 : index
        %swap3A_348 = tpu.vector_load %swap3A_345[%swap3A_346, %swap3A_347] {strides = array<i32>} : memref<16x128xf32, #tpu.memory_space<vmem>>, vector<16xf32>,
        tpu.vector_store %swap3A_345[%swap3A_346, %swap3A_347], %gather3A_337 {strides = array<i32>} : memref<16x128xf32, #tpu.memory_space<vmem>>, vector<16xf32>,
        %mul3A_349 = arith.constant 16 : i32
        %mul3A_350 = arith.muli %scan3A_176, %mul3A_349 : i32
        %add3A_351 = arith.constant 8 : i32
        %add3A_352 = arith.addi %mul3A_350, %add3A_351 : i32
        %broadcast_in_dim3A_353 = vector.broadcast %add3A_352 : i32 to vector<16xi32>
        %iota3A_354 = tpu.iota {dimensions = array<i32: 0>} : vector<16xi32>
        %gather3A_355 = arith.constant 0 : i32
        %gather3A_356 = arith.constant 0 : i32
        %gather3A_357 = tpu.memref_slice %arg7[%select_n3A_123, %gather3A_355, %gather3A_356] : memref<2x16x128xf32, #tpu.memory_space<vmem>> -> memref<1x16x128xf32, #tpu.memory_space<vmem>>
        %gather3A_358 = tpu.memref_squeeze %gather3A_357 : memref<1x16x128xf32, #tpu.memory_space<vmem>> -> memref<16x128xf32, #tpu.memory_space<vmem>>
        %gather3A_359 = tpu.vector_load_idx %gather3A_358[%iota3A_354, %broadcast_in_dim3A_353] : memref<16x128xf32, #tpu.memory_space<vmem>>[vector<16xi32>, vector<16xi32>], vector<16xf32>,
        %mul3A_360 = arith.constant 2 : i32
        %mul3A_361 = arith.muli %mul3A_360, %scan3A_176 : i32
        %add3A_362 = arith.constant 1 : i32
        %add3A_363 = arith.addi %mul3A_361, %add3A_362 : i32
        %swap3A_364 = arith.constant 0 : i32
        %swap3A_365 = arith.constant 0 : i32
        %swap3A_366 = tpu.memref_slice %arg8[%select_n3A_139, %swap3A_364, %swap3A_365] : memref<2x16x128xf32, #tpu.memory_space<vmem>> -> memref<1x16x128xf32, #tpu.memory_space<vmem>>
        %swap3A_367 = tpu.memref_squeeze %swap3A_366 : memref<1x16x128xf32, #tpu.memory_space<vmem>> -> memref<16x128xf32, #tpu.memory_space<vmem>>
        %swap3A_368 = arith.index_cast %add3A_363 : i32 to index
        %swap3A_369 = arith.constant 0 : index
        %swap3A_370 = tpu.vector_load %swap3A_367[%swap3A_368, %swap3A_369] {strides = array<i32>} : memref<16x128xf32, #tpu.memory_space<vmem>>, vector<16xf32>,
        tpu.vector_store %swap3A_367[%swap3A_368, %swap3A_369], %gather3A_359 {strides = array<i32>} : memref<16x128xf32, #tpu.memory_space<vmem>>, vector<16xf32>,
        %mul3A_371 = arith.constant 16 : i32
        %mul3A_372 = arith.muli %scan3A_176, %mul3A_371 : i32
        %add3A_373 = arith.constant 9 : i32
        %add3A_374 = arith.addi %mul3A_372, %add3A_373 : i32
        %broadcast_in_dim3A_375 = vector.broadcast %add3A_374 : i32 to vector<16xi32>
        %iota3A_376 = tpu.iota {dimensions = array<i32: 0>} : vector<16xi32>
        %gather3A_377 = arith.constant 0 : i32
        %gather3A_378 = arith.constant 0 : i32
        %gather3A_379 = tpu.memref_slice %arg7[%select_n3A_123, %gather3A_377, %gather3A_378] : memref<2x16x128xf32, #tpu.memory_space<vmem>> -> memref<1x16x128xf32, #tpu.memory_space<vmem>>
        %gather3A_380 = tpu.memref_squeeze %gather3A_379 : memref<1x16x128xf32, #tpu.memory_space<vmem>> -> memref<16x128xf32, #tpu.memory_space<vmem>>
        %gather3A_381 = tpu.vector_load_idx %gather3A_380[%iota3A_376, %broadcast_in_dim3A_375] : memref<16x128xf32, #tpu.memory_space<vmem>>[vector<16xi32>, vector<16xi32>], vector<16xf32>,
        %mul3A_382 = arith.constant 2 : i32
        %mul3A_383 = arith.muli %mul3A_382, %scan3A_176 : i32
        %add3A_384 = arith.constant 1 : i32
        %add3A_385 = arith.addi %mul3A_383, %add3A_384 : i32
        %swap3A_386 = arith.constant 0 : i32
        %swap3A_387 = arith.constant 0 : i32
        %swap3A_388 = tpu.memref_slice %arg8[%select_n3A_139, %swap3A_386, %swap3A_387] : memref<2x16x128xf32, #tpu.memory_space<vmem>> -> memref<1x16x128xf32, #tpu.memory_space<vmem>>
        %swap3A_389 = tpu.memref_squeeze %swap3A_388 : memref<1x16x128xf32, #tpu.memory_space<vmem>> -> memref<16x128xf32, #tpu.memory_space<vmem>>
        %swap3A_390 = arith.index_cast %add3A_385 : i32 to index
        %swap3A_391 = arith.constant 16 : index
        %swap3A_392 = tpu.vector_load %swap3A_389[%swap3A_390, %swap3A_391] {strides = array<i32>} : memref<16x128xf32, #tpu.memory_space<vmem>>, vector<16xf32>,
        tpu.vector_store %swap3A_389[%swap3A_390, %swap3A_391], %gather3A_381 {strides = array<i32>} : memref<16x128xf32, #tpu.memory_space<vmem>>, vector<16xf32>,
        %mul3A_393 = arith.constant 16 : i32
        %mul3A_394 = arith.muli %scan3A_176, %mul3A_393 : i32
        %add3A_395 = arith.constant 10 : i32
        %add3A_396 = arith.addi %mul3A_394, %add3A_395 : i32
        %broadcast_in_dim3A_397 = vector.broadcast %add3A_396 : i32 to vector<16xi32>
        %iota3A_398 = tpu.iota {dimensions = array<i32: 0>} : vector<16xi32>
        %gather3A_399 = arith.constant 0 : i32
        %gather3A_400 = arith.constant 0 : i32
        %gather3A_401 = tpu.memref_slice %arg7[%select_n3A_123, %gather3A_399, %gather3A_400] : memref<2x16x128xf32, #tpu.memory_space<vmem>> -> memref<1x16x128xf32, #tpu.memory_space<vmem>>
        %gather3A_402 = tpu.memref_squeeze %gather3A_401 : memref<1x16x128xf32, #tpu.memory_space<vmem>> -> memref<16x128xf32, #tpu.memory_space<vmem>>
        %gather3A_403 = tpu.vector_load_idx %gather3A_402[%iota3A_398, %broadcast_in_dim3A_397] : memref<16x128xf32, #tpu.memory_space<vmem>>[vector<16xi32>, vector<16xi32>], vector<16xf32>,
        %mul3A_404 = arith.constant 2 : i32
        %mul3A_405 = arith.muli %mul3A_404, %scan3A_176 : i32
        %add3A_406 = arith.constant 1 : i32
        %add3A_407 = arith.addi %mul3A_405, %add3A_406 : i32
        %swap3A_408 = arith.constant 0 : i32
        %swap3A_409 = arith.constant 0 : i32
        %swap3A_410 = tpu.memref_slice %arg8[%select_n3A_139, %swap3A_408, %swap3A_409] : memref<2x16x128xf32, #tpu.memory_space<vmem>> -> memref<1x16x128xf32, #tpu.memory_space<vmem>>
        %swap3A_411 = tpu.memref_squeeze %swap3A_410 : memref<1x16x128xf32, #tpu.memory_space<vmem>> -> memref<16x128xf32, #tpu.memory_space<vmem>>
        %swap3A_412 = arith.index_cast %add3A_407 : i32 to index
        %swap3A_413 = arith.constant 32 : index
        %swap3A_414 = tpu.vector_load %swap3A_411[%swap3A_412, %swap3A_413] {strides = array<i32>} : memref<16x128xf32, #tpu.memory_space<vmem>>, vector<16xf32>,
        tpu.vector_store %swap3A_411[%swap3A_412, %swap3A_413], %gather3A_403 {strides = array<i32>} : memref<16x128xf32, #tpu.memory_space<vmem>>, vector<16xf32>,
        %mul3A_415 = arith.constant 16 : i32
        %mul3A_416 = arith.muli %scan3A_176, %mul3A_415 : i32
        %add3A_417 = arith.constant 11 : i32
        %add3A_418 = arith.addi %mul3A_416, %add3A_417 : i32
        %broadcast_in_dim3A_419 = vector.broadcast %add3A_418 : i32 to vector<16xi32>
        %iota3A_420 = tpu.iota {dimensions = array<i32: 0>} : vector<16xi32>
        %gather3A_421 = arith.constant 0 : i32
        %gather3A_422 = arith.constant 0 : i32
        %gather3A_423 = tpu.memref_slice %arg7[%select_n3A_123, %gather3A_421, %gather3A_422] : memref<2x16x128xf32, #tpu.memory_space<vmem>> -> memref<1x16x128xf32, #tpu.memory_space<vmem>>
        %gather3A_424 = tpu.memref_squeeze %gather3A_423 : memref<1x16x128xf32, #tpu.memory_space<vmem>> -> memref<16x128xf32, #tpu.memory_space<vmem>>
        %gather3A_425 = tpu.vector_load_idx %gather3A_424[%iota3A_420, %broadcast_in_dim3A_419] : memref<16x128xf32, #tpu.memory_space<vmem>>[vector<16xi32>, vector<16xi32>], vector<16xf32>,
        %mul3A_426 = arith.constant 2 : i32
        %mul3A_427 = arith.muli %mul3A_426, %scan3A_176 : i32
        %add3A_428 = arith.constant 1 : i32
        %add3A_429 = arith.addi %mul3A_427, %add3A_428 : i32
        %swap3A_430 = arith.constant 0 : i32
        %swap3A_431 = arith.constant 0 : i32
        %swap3A_432 = tpu.memref_slice %arg8[%select_n3A_139, %swap3A_430, %swap3A_431] : memref<2x16x128xf32, #tpu.memory_space<vmem>> -> memref<1x16x128xf32, #tpu.memory_space<vmem>>
        %swap3A_433 = tpu.memref_squeeze %swap3A_432 : memref<1x16x128xf32, #tpu.memory_space<vmem>> -> memref<16x128xf32, #tpu.memory_space<vmem>>
        %swap3A_434 = arith.index_cast %add3A_429 : i32 to index
        %swap3A_435 = arith.constant 48 : index
        %swap3A_436 = tpu.vector_load %swap3A_433[%swap3A_434, %swap3A_435] {strides = array<i32>} : memref<16x128xf32, #tpu.memory_space<vmem>>, vector<16xf32>,
        tpu.vector_store %swap3A_433[%swap3A_434, %swap3A_435], %gather3A_425 {strides = array<i32>} : memref<16x128xf32, #tpu.memory_space<vmem>>, vector<16xf32>,
        %mul3A_437 = arith.constant 16 : i32
        %mul3A_438 = arith.muli %scan3A_176, %mul3A_437 : i32
        %add3A_439 = arith.constant 12 : i32
        %add3A_440 = arith.addi %mul3A_438, %add3A_439 : i32
        %broadcast_in_dim3A_441 = vector.broadcast %add3A_440 : i32 to vector<16xi32>
        %iota3A_442 = tpu.iota {dimensions = array<i32: 0>} : vector<16xi32>
        %gather3A_443 = arith.constant 0 : i32
        %gather3A_444 = arith.constant 0 : i32
        %gather3A_445 = tpu.memref_slice %arg7[%select_n3A_123, %gather3A_443, %gather3A_444] : memref<2x16x128xf32, #tpu.memory_space<vmem>> -> memref<1x16x128xf32, #tpu.memory_space<vmem>>
        %gather3A_446 = tpu.memref_squeeze %gather3A_445 : memref<1x16x128xf32, #tpu.memory_space<vmem>> -> memref<16x128xf32, #tpu.memory_space<vmem>>
        %gather3A_447 = tpu.vector_load_idx %gather3A_446[%iota3A_442, %broadcast_in_dim3A_441] : memref<16x128xf32, #tpu.memory_space<vmem>>[vector<16xi32>, vector<16xi32>], vector<16xf32>,
        %mul3A_448 = arith.constant 2 : i32
        %mul3A_449 = arith.muli %mul3A_448, %scan3A_176 : i32
        %add3A_450 = arith.constant 1 : i32
        %add3A_451 = arith.addi %mul3A_449, %add3A_450 : i32
        %swap3A_452 = arith.constant 0 : i32
        %swap3A_453 = arith.constant 0 : i32
        %swap3A_454 = tpu.memref_slice %arg8[%select_n3A_139, %swap3A_452, %swap3A_453] : memref<2x16x128xf32, #tpu.memory_space<vmem>> -> memref<1x16x128xf32, #tpu.memory_space<vmem>>
        %swap3A_455 = tpu.memref_squeeze %swap3A_454 : memref<1x16x128xf32, #tpu.memory_space<vmem>> -> memref<16x128xf32, #tpu.memory_space<vmem>>
        %swap3A_456 = arith.index_cast %add3A_451 : i32 to index
        %swap3A_457 = arith.constant 64 : index
        %swap3A_458 = tpu.vector_load %swap3A_455[%swap3A_456, %swap3A_457] {strides = array<i32>} : memref<16x128xf32, #tpu.memory_space<vmem>>, vector<16xf32>,
        tpu.vector_store %swap3A_455[%swap3A_456, %swap3A_457], %gather3A_447 {strides = array<i32>} : memref<16x128xf32, #tpu.memory_space<vmem>>, vector<16xf32>,
        %mul3A_459 = arith.constant 16 : i32
        %mul3A_460 = arith.muli %scan3A_176, %mul3A_459 : i32
        %add3A_461 = arith.constant 13 : i32
        %add3A_462 = arith.addi %mul3A_460, %add3A_461 : i32
        %broadcast_in_dim3A_463 = vector.broadcast %add3A_462 : i32 to vector<16xi32>
        %iota3A_464 = tpu.iota {dimensions = array<i32: 0>} : vector<16xi32>
        %gather3A_465 = arith.constant 0 : i32
        %gather3A_466 = arith.constant 0 : i32
        %gather3A_467 = tpu.memref_slice %arg7[%select_n3A_123, %gather3A_465, %gather3A_466] : memref<2x16x128xf32, #tpu.memory_space<vmem>> -> memref<1x16x128xf32, #tpu.memory_space<vmem>>
        %gather3A_468 = tpu.memref_squeeze %gather3A_467 : memref<1x16x128xf32, #tpu.memory_space<vmem>> -> memref<16x128xf32, #tpu.memory_space<vmem>>
        %gather3A_469 = tpu.vector_load_idx %gather3A_468[%iota3A_464, %broadcast_in_dim3A_463] : memref<16x128xf32, #tpu.memory_space<vmem>>[vector<16xi32>, vector<16xi32>], vector<16xf32>,
        %mul3A_470 = arith.constant 2 : i32
        %mul3A_471 = arith.muli %mul3A_470, %scan3A_176 : i32
        %add3A_472 = arith.constant 1 : i32
        %add3A_473 = arith.addi %mul3A_471, %add3A_472 : i32
        %swap3A_474 = arith.constant 0 : i32
        %swap3A_475 = arith.constant 0 : i32
        %swap3A_476 = tpu.memref_slice %arg8[%select_n3A_139, %swap3A_474, %swap3A_475] : memref<2x16x128xf32, #tpu.memory_space<vmem>> -> memref<1x16x128xf32, #tpu.memory_space<vmem>>
        %swap3A_477 = tpu.memref_squeeze %swap3A_476 : memref<1x16x128xf32, #tpu.memory_space<vmem>> -> memref<16x128xf32, #tpu.memory_space<vmem>>
        %swap3A_478 = arith.index_cast %add3A_473 : i32 to index
        %swap3A_479 = arith.constant 80 : index
        %swap3A_480 = tpu.vector_load %swap3A_477[%swap3A_478, %swap3A_479] {strides = array<i32>} : memref<16x128xf32, #tpu.memory_space<vmem>>, vector<16xf32>,
        tpu.vector_store %swap3A_477[%swap3A_478, %swap3A_479], %gather3A_469 {strides = array<i32>} : memref<16x128xf32, #tpu.memory_space<vmem>>, vector<16xf32>,
        %mul3A_481 = arith.constant 16 : i32
        %mul3A_482 = arith.muli %scan3A_176, %mul3A_481 : i32
        %add3A_483 = arith.constant 14 : i32
        %add3A_484 = arith.addi %mul3A_482, %add3A_483 : i32
        %broadcast_in_dim3A_485 = vector.broadcast %add3A_484 : i32 to vector<16xi32>
        %iota3A_486 = tpu.iota {dimensions = array<i32: 0>} : vector<16xi32>
        %gather3A_487 = arith.constant 0 : i32
        %gather3A_488 = arith.constant 0 : i32
        %gather3A_489 = tpu.memref_slice %arg7[%select_n3A_123, %gather3A_487, %gather3A_488] : memref<2x16x128xf32, #tpu.memory_space<vmem>> -> memref<1x16x128xf32, #tpu.memory_space<vmem>>
        %gather3A_490 = tpu.memref_squeeze %gather3A_489 : memref<1x16x128xf32, #tpu.memory_space<vmem>> -> memref<16x128xf32, #tpu.memory_space<vmem>>
        %gather3A_491 = tpu.vector_load_idx %gather3A_490[%iota3A_486, %broadcast_in_dim3A_485] : memref<16x128xf32, #tpu.memory_space<vmem>>[vector<16xi32>, vector<16xi32>], vector<16xf32>,
        %mul3A_492 = arith.constant 2 : i32
        %mul3A_493 = arith.muli %mul3A_492, %scan3A_176 : i32
        %add3A_494 = arith.constant 1 : i32
        %add3A_495 = arith.addi %mul3A_493, %add3A_494 : i32
        %swap3A_496 = arith.constant 0 : i32
        %swap3A_497 = arith.constant 0 : i32
        %swap3A_498 = tpu.memref_slice %arg8[%select_n3A_139, %swap3A_496, %swap3A_497] : memref<2x16x128xf32, #tpu.memory_space<vmem>> -> memref<1x16x128xf32, #tpu.memory_space<vmem>>
        %swap3A_499 = tpu.memref_squeeze %swap3A_498 : memref<1x16x128xf32, #tpu.memory_space<vmem>> -> memref<16x128xf32, #tpu.memory_space<vmem>>
        %swap3A_500 = arith.index_cast %add3A_495 : i32 to index
        %swap3A_501 = arith.constant 96 : index
        %swap3A_502 = tpu.vector_load %swap3A_499[%swap3A_500, %swap3A_501] {strides = array<i32>} : memref<16x128xf32, #tpu.memory_space<vmem>>, vector<16xf32>,
        tpu.vector_store %swap3A_499[%swap3A_500, %swap3A_501], %gather3A_491 {strides = array<i32>} : memref<16x128xf32, #tpu.memory_space<vmem>>, vector<16xf32>,
        %mul3A_503 = arith.constant 16 : i32
        %mul3A_504 = arith.muli %scan3A_176, %mul3A_503 : i32
        %add3A_505 = arith.constant 15 : i32
        %add3A_506 = arith.addi %mul3A_504, %add3A_505 : i32
        %broadcast_in_dim3A_507 = vector.broadcast %add3A_506 : i32 to vector<16xi32>
        %iota3A_508 = tpu.iota {dimensions = array<i32: 0>} : vector<16xi32>
        %gather3A_509 = arith.constant 0 : i32
        %gather3A_510 = arith.constant 0 : i32
        %gather3A_511 = tpu.memref_slice %arg7[%select_n3A_123, %gather3A_509, %gather3A_510] : memref<2x16x128xf32, #tpu.memory_space<vmem>> -> memref<1x16x128xf32, #tpu.memory_space<vmem>>
        %gather3A_512 = tpu.memref_squeeze %gather3A_511 : memref<1x16x128xf32, #tpu.memory_space<vmem>> -> memref<16x128xf32, #tpu.memory_space<vmem>>
        %gather3A_513 = tpu.vector_load_idx %gather3A_512[%iota3A_508, %broadcast_in_dim3A_507] : memref<16x128xf32, #tpu.memory_space<vmem>>[vector<16xi32>, vector<16xi32>], vector<16xf32>,
        %mul3A_514 = arith.constant 2 : i32
        %mul3A_515 = arith.muli %mul3A_514, %scan3A_176 : i32
        %add3A_516 = arith.constant 1 : i32
        %add3A_517 = arith.addi %mul3A_515, %add3A_516 : i32
        %swap3A_518 = arith.constant 0 : i32
        %swap3A_519 = arith.constant 0 : i32
        %swap3A_520 = tpu.memref_slice %arg8[%select_n3A_139, %swap3A_518, %swap3A_519] : memref<2x16x128xf32, #tpu.memory_space<vmem>> -> memref<1x16x128xf32, #tpu.memory_space<vmem>>
        %swap3A_521 = tpu.memref_squeeze %swap3A_520 : memref<1x16x128xf32, #tpu.memory_space<vmem>> -> memref<16x128xf32, #tpu.memory_space<vmem>>
        %swap3A_522 = arith.index_cast %add3A_517 : i32 to index
        %swap3A_523 = arith.constant 112 : index
        %swap3A_524 = tpu.vector_load %swap3A_521[%swap3A_522, %swap3A_523] {strides = array<i32>} : memref<16x128xf32, #tpu.memory_space<vmem>>, vector<16xf32>,
        tpu.vector_store %swap3A_521[%swap3A_522, %swap3A_523], %gather3A_513 {strides = array<i32>} : memref<16x128xf32, #tpu.memory_space<vmem>>, vector<16xf32>,
      }
      %scan3A_145 = arith.constant 8 : i32
      %jit3A_146 = arith.constant 2 : i32
      %eq3A_147 = arith.constant 0 : i32
      %eq3A_148 = arith.cmpi eq, %jit3A_146, %eq3A_147 : i32
      %jit3A_149 = arith.constant 1 : i32
      %select_n3A_150 = arith.select %eq3A_148, %jit3A_149, %jit3A_146 : i32
      %rem3A_151 = arith.remsi %while3A_68, %select_n3A_150 : i32
      %ne3A_152 = arith.constant 0 : i32
      %ne3A_153 = arith.cmpi ne, %rem3A_151, %ne3A_152 : i32
      %lt3A_154 = arith.constant 0 : i32
      %lt3A_155 = arith.cmpi slt, %rem3A_151, %lt3A_154 : i32
      %lt3A_156 = arith.constant 0 : i32
      %lt3A_157 = arith.cmpi slt, %select_n3A_150, %lt3A_156 : i32
      %ne3A_158 = arith.xori %lt3A_155, %lt3A_157 : i1
      %and3A_159 = arith.andi %ne3A_158, %ne3A_153 : i1
      %add3A_160 = arith.addi %rem3A_151, %select_n3A_150 : i32
      %select_n3A_161 = arith.select %and3A_159, %add3A_160, %rem3A_151 : i32
      %mul3A_162 = arith.constant 16 : i32
      %mul3A_163 = arith.muli %add3A_69, %mul3A_162 : i32
      %dma_start3A_164 = arith.constant 0 : i32
      %dma_start3A_165 = arith.constant 0 : i32
      %dma_start3A_166 = tpu.memref_slice %arg8[%select_n3A_161, %dma_start3A_164, %dma_start3A_165] : memref<2x16x128xf32, #tpu.memory_space<vmem>> -> memref<1x16x128xf32, #tpu.memory_space<vmem>>
      %dma_start3A_167 = tpu.memref_squeeze %dma_start3A_166 : memref<1x16x128xf32, #tpu.memory_space<vmem>> -> memref<16x128xf32, #tpu.memory_space<vmem>>
      %dma_start3A_168 = arith.constant 0 : i32
      %dma_start3A_169 = tpu.memref_slice %arg5[%mul3A_163, %dma_start3A_168] : memref<325000x128xf32, #tpu.memory_space<hbm>> -> memref<16x128xf32, #tpu.memory_space<hbm>>
      %dma_start3A_170 = arith.constant 0 : i32
      %dma_start3A_171 = tpu.memref_slice %arg5[%mul3A_163, %dma_start3A_170] : memref<325000x128xf32, #tpu.memory_space<hbm>> -> memref<16x128xf32, #tpu.memory_space<hbm>>
      %dma_start3A_172 = arith.constant 0 : i32
      %dma_start3A_173 = arith.constant 0 : i32
      %dma_start3A_174 = tpu.memref_slice %arg8[%select_n3A_161, %dma_start3A_172, %dma_start3A_173] : memref<2x16x128xf32, #tpu.memory_space<vmem>> -> memref<1x16x128xf32, #tpu.memory_space<vmem>>
      %dma_start3A_175 = tpu.memref_squeeze %dma_start3A_174 : memref<1x16x128xf32, #tpu.memory_space<vmem>> -> memref<16x128xf32, #tpu.memory_space<vmem>>
      tpu.enqueue_dma source(%dma_start3A_175 : memref<16x128xf32, #tpu.memory_space<vmem>>) target(%dma_start3A_171 : memref<16x128xf32, #tpu.memory_space<hbm>>) target_semaphore(%arg12 : memref<!tpu.dma_semaphore, #tpu.memory_space<semaphore_mem>>)
    }
    %sub3A = arith.constant 1 : i32
    %sub3A_32 = arith.subi %select_n3A, %sub3A : i32
    %jit3A_33 = arith.constant 2 : i32
    %eq3A = arith.constant 0 : i32
    %eq3A_34 = arith.cmpi eq, %jit3A_33, %eq3A : i32
    %jit3A_35 = arith.constant 1 : i32
    %select_n3A_36 = arith.select %eq3A_34, %jit3A_35, %jit3A_33 : i32
    %rem3A = arith.remsi %sub3A_32, %select_n3A_36 : i32
    %ne3A = arith.constant 0 : i32
    %ne3A_37 = arith.cmpi ne, %rem3A, %ne3A : i32
    %lt3A_38 = arith.constant 0 : i32
    %lt3A_39 = arith.cmpi slt, %rem3A, %lt3A_38 : i32
    %lt3A_40 = arith.constant 0 : i32
    %lt3A_41 = arith.cmpi slt, %select_n3A_36, %lt3A_40 : i32
    %ne3A_42 = arith.xori %lt3A_39, %lt3A_41 : i1
    %and3A = arith.andi %ne3A_42, %ne3A_37 : i1
    %add3A_43 = arith.addi %rem3A, %select_n3A_36 : i32
    %select_n3A_44 = arith.select %and3A, %add3A_43, %rem3A : i32
    %add3A_45 = arith.addi %add3A_6, %select_n3A : i32
    %sub3A_46 = arith.constant 1 : i32
    %sub3A_47 = arith.subi %add3A_45, %sub3A_46 : i32
    %mul3A_48 = arith.constant 16 : i32
    %mul3A_49 = arith.muli %sub3A_47, %mul3A_48 : i32
    %dma_wait3A = arith.constant 0 : i32
    %dma_wait3A_50 = arith.constant 0 : i32
    %dma_wait3A_51 = tpu.memref_slice %arg8[%select_n3A_44, %dma_wait3A, %dma_wait3A_50] : memref<2x16x128xf32, #tpu.memory_space<vmem>> -> memref<1x16x128xf32, #tpu.memory_space<vmem>>
    %dma_wait3A_52 = tpu.memref_squeeze %dma_wait3A_51 : memref<1x16x128xf32, #tpu.memory_space<vmem>> -> memref<16x128xf32, #tpu.memory_space<vmem>>
    %dma_wait3A_53 = arith.constant 0 : i32
    %dma_wait3A_54 = tpu.memref_slice %arg5[%mul3A_49, %dma_wait3A_53] : memref<325000x128xf32, #tpu.memory_space<hbm>> -> memref<16x128xf32, #tpu.memory_space<hbm>>
    %dma_wait3A_55 = arith.constant 0 : i32
    %dma_wait3A_56 = tpu.memref_slice %arg5[%mul3A_49, %dma_wait3A_55] : memref<325000x128xf32, #tpu.memory_space<hbm>> -> memref<16x128xf32, #tpu.memory_space<hbm>>
    %dma_wait3A_57 = arith.constant 0 : i32
    %dma_wait3A_58 = arith.constant 0 : i32
    %dma_wait3A_59 = tpu.memref_slice %arg8[%select_n3A_44, %dma_wait3A_57, %dma_wait3A_58] : memref<2x16x128xf32, #tpu.memory_space<vmem>> -> memref<1x16x128xf32, #tpu.memory_space<vmem>>
    %dma_wait3A_60 = tpu.memref_squeeze %dma_wait3A_59 : memref<1x16x128xf32, #tpu.memory_space<vmem>> -> memref<16x128xf32, #tpu.memory_space<vmem>>
    tpu.wait_dma2 semaphore(%arg12 : memref<!tpu.dma_semaphore, #tpu.memory_space<semaphore_mem>>) src(%dma_wait3A_60 : memref<16x128xf32, #tpu.memory_space<vmem>>) dst(%dma_wait3A_56 : memref<16x128xf32, #tpu.memory_space<hbm>>)
    "tpu.region"() ({
      %run_scoped3A = tpu.sem_alloc : memref<!tpu.dma_semaphore, #tpu.memory_space<semaphore_mem>>
      %dma_start3A_68 = arith.constant 0 : i32
      %dma_start3A_69 = tpu.memref_slice %arg10[%dma_start3A_68] : memref<32xi32, #tpu.memory_space<vmem>> -> memref<26xi32, #tpu.memory_space<vmem>>
      %dma_start3A_70 = arith.constant 0 : i32
      %dma_start3A_71 = tpu.memref_slice %arg10[%dma_start3A_70] : memref<32xi32, #tpu.memory_space<vmem>> -> memref<26xi32, #tpu.memory_space<vmem>>
      tpu.enqueue_dma source(%arg4 : memref<26xi32, #tpu.memory_space<hbm>>) target(%dma_start3A_71 : memref<26xi32, #tpu.memory_space<vmem>>) target_semaphore(%run_scoped3A : memref<!tpu.dma_semaphore, #tpu.memory_space<semaphore_mem>>)
      %dma_wait3A_72 = arith.constant 0 : i32
      %dma_wait3A_73 = tpu.memref_slice %arg10[%dma_wait3A_72] : memref<32xi32, #tpu.memory_space<vmem>> -> memref<26xi32, #tpu.memory_space<vmem>>
      %dma_wait3A_74 = arith.constant 0 : i32
      %dma_wait3A_75 = tpu.memref_slice %arg10[%dma_wait3A_74] : memref<32xi32, #tpu.memory_space<vmem>> -> memref<26xi32, #tpu.memory_space<vmem>>
      tpu.wait_dma2 semaphore(%run_scoped3A : memref<!tpu.dma_semaphore, #tpu.memory_space<semaphore_mem>>) src(%arg4 : memref<26xi32, #tpu.memory_space<hbm>>) dst(%dma_wait3A_75 : memref<26xi32, #tpu.memory_space<vmem>>)
      tpu.yield
    }) : () -> ()
    %mul3A_61 = arith.constant 13312 : i32
    %mul3A_62 = arith.muli %add3A, %mul3A_61 : i32
    %scan3A = arith.constant 0 : i32
    %scan3A_63 = arith.constant 0 : i32
    %scan3A_64 = arith.constant 13 : i32
    %scan3A_65 = arith.addi %scan3A_63, %scan3A_64 : i32
    %scan3A_66 = arith.constant 1 : i32
    scf.for %scan3A_68 = %scan3A_63 to %scan3A_65 step %scan3A_66  : i32 {
      %mul3A_69 = arith.constant 1024 : i32
      %mul3A_70 = arith.muli %scan3A_68, %mul3A_69 : i32
      %add3A_71 = arith.addi %mul3A_62, %mul3A_70 : i32
      %jit3A_72 = arith.constant 16384 : i32
      %div3A = arith.divsi %add3A_71, %jit3A_72 : i32
      %sign3A = arith.constant 0 : i32
      %sign3A_73 = arith.cmpi sgt, %add3A_71, %sign3A : i32
      %sign3A_74 = arith.extui %sign3A_73 : i1 to i32
      %sign3A_75 = arith.constant 0 : i32
      %sign3A_76 = arith.cmpi slt, %add3A_71, %sign3A_75 : i32
      %sign3A_77 = arith.extui %sign3A_76 : i1 to i32
      %sign3A_78 = arith.subi %sign3A_74, %sign3A_77 : i32
      %sign3A_79 = arith.constant 0 : i32
      %sign3A_80 = arith.cmpi sgt, %jit3A_72, %sign3A_79 : i32
      %sign3A_81 = arith.extui %sign3A_80 : i1 to i32
      %sign3A_82 = arith.constant 0 : i32
      %sign3A_83 = arith.cmpi slt, %jit3A_72, %sign3A_82 : i32
      %sign3A_84 = arith.extui %sign3A_83 : i1 to i32
      %sign3A_85 = arith.subi %sign3A_81, %sign3A_84 : i32
      %ne3A_86 = arith.cmpi ne, %sign3A_78, %sign3A_85 : i32
      %rem3A_87 = arith.remsi %add3A_71, %jit3A_72 : i32
      %ne3A_88 = arith.constant 0 : i32
      %ne3A_89 = arith.cmpi ne, %rem3A_87, %ne3A_88 : i32
      %and3A_90 = arith.andi %ne3A_86, %ne3A_89 : i1
      %sub3A_91 = arith.constant 1 : i32
      %sub3A_92 = arith.subi %div3A, %sub3A_91 : i32
      %select_n3A_93 = arith.select %and3A_90, %sub3A_92, %div3A : i32
      %mul3A_94 = arith.constant 16384 : i32
      %mul3A_95 = arith.muli %select_n3A_93, %mul3A_94 : i32
      %sub3A_96 = arith.subi %add3A_71, %mul3A_95 : i32
      %mul3A_97 = arith.constant 1024 : i32
      %mul3A_98 = arith.muli %scan3A_68, %mul3A_97 : i32
      "tpu.region"() ({
        %run_scoped3A = tpu.sem_alloc : memref<!tpu.dma_semaphore, #tpu.memory_space<semaphore_mem>>
        %dma_start3A_105 = tpu.memref_slice %arg9[%mul3A_98] : memref<13312xi32, #tpu.memory_space<vmem>> -> memref<1024xi32, #tpu.memory_space<vmem>>
        %dma_start3A_106 = tpu.memref_slice %arg3[%select_n3A_93, %sub3A_96] : memref<26x16384xi32, #tpu.memory_space<hbm>> -> memref<1x1024xi32, #tpu.memory_space<hbm>>
        %dma_start3A_107 = tpu.memref_squeeze %dma_start3A_106 : memref<1x1024xi32, #tpu.memory_space<hbm>> -> memref<1024xi32, #tpu.memory_space<hbm>>
        %dma_start3A_108 = tpu.memref_slice %arg9[%mul3A_98] : memref<13312xi32, #tpu.memory_space<vmem>> -> memref<1024xi32, #tpu.memory_space<vmem>>
        %dma_start3A_109 = tpu.memref_slice %arg3[%select_n3A_93, %sub3A_96] : memref<26x16384xi32, #tpu.memory_space<hbm>> -> memref<1x1024xi32, #tpu.memory_space<hbm>>
        %dma_start3A_110 = tpu.memref_squeeze %dma_start3A_109 : memref<1x1024xi32, #tpu.memory_space<hbm>> -> memref<1024xi32, #tpu.memory_space<hbm>>
        tpu.enqueue_dma source(%dma_start3A_110 : memref<1024xi32, #tpu.memory_space<hbm>>) target(%dma_start3A_108 : memref<1024xi32, #tpu.memory_space<vmem>>) target_semaphore(%run_scoped3A : memref<!tpu.dma_semaphore, #tpu.memory_space<semaphore_mem>>)
        %dma_wait3A_111 = tpu.memref_slice %arg9[%mul3A_98] : memref<13312xi32, #tpu.memory_space<vmem>> -> memref<1024xi32, #tpu.memory_space<vmem>>
        %dma_wait3A_112 = tpu.memref_slice %arg3[%select_n3A_93, %sub3A_96] : memref<26x16384xi32, #tpu.memory_space<hbm>> -> memref<1x1024xi32, #tpu.memory_space<hbm>>
        %dma_wait3A_113 = tpu.memref_squeeze %dma_wait3A_112 : memref<1x1024xi32, #tpu.memory_space<hbm>> -> memref<1024xi32, #tpu.memory_space<hbm>>
        %dma_wait3A_114 = tpu.memref_slice %arg9[%mul3A_98] : memref<13312xi32, #tpu.memory_space<vmem>> -> memref<1024xi32, #tpu.memory_space<vmem>>
        %dma_wait3A_115 = tpu.memref_slice %arg3[%select_n3A_93, %sub3A_96] : memref<26x16384xi32, #tpu.memory_space<hbm>> -> memref<1x1024xi32, #tpu.memory_space<hbm>>
        %dma_wait3A_116 = tpu.memref_squeeze %dma_wait3A_115 : memref<1x1024xi32, #tpu.memory_space<hbm>> -> memref<1024xi32, #tpu.memory_space<hbm>>
        tpu.wait_dma2 semaphore(%run_scoped3A : memref<!tpu.dma_semaphore, #tpu.memory_space<semaphore_mem>>) src(%dma_wait3A_116 : memref<1024xi32, #tpu.memory_space<hbm>>) dst(%dma_wait3A_114 : memref<1024xi32, #tpu.memory_space<vmem>>)
        tpu.yield
      }) : () -> ()
      %broadcast_in_dim3A = vector.broadcast %select_n3A_93 : i32 to vector<16xi32>
      %gather3A = tpu.vector_load_idx %arg10[%broadcast_in_dim3A] : memref<32xi32, #tpu.memory_space<vmem>>[vector<16xi32>], vector<16xi32>,
      %scan3A_99 = arith.constant 0 : i32
      %scan3A_100 = arith.constant 0 : i32
      %scan3A_101 = arith.constant 64 : i32
      %scan3A_102 = arith.addi %scan3A_100, %scan3A_101 : i32
      %scan3A_103 = arith.constant 1 : i32
      scf.for %scan3A_105 = %scan3A_100 to %scan3A_102 step %scan3A_103  : i32 {
        %mul3A_106 = arith.constant 1024 : i32
        %mul3A_107 = arith.muli %scan3A_68, %mul3A_106 : i32
        %mul3A_108 = arith.constant 16 : i32
        %mul3A_109 = arith.muli %scan3A_105, %mul3A_108 : i32
        %add3A_110 = arith.addi %mul3A_107, %mul3A_109 : i32
        %get3A = arith.index_cast %add3A_110 : i32 to index
        %get3A_111 = tpu.vector_load %arg9[%get3A] {strides = array<i32>} : memref<13312xi32, #tpu.memory_space<vmem>>, vector<16xi32>,
        %add3A_112 = arith.addi %get3A_111, %gather3A : vector<16xi32>
        %swap3A = arith.index_cast %add3A_110 : i32 to index
        %swap3A_113 = tpu.vector_load %arg9[%swap3A] {strides = array<i32>} : memref<13312xi32, #tpu.memory_space<vmem>>, vector<16xi32>,
        tpu.vector_store %arg9[%swap3A], %add3A_112 {strides = array<i32>} : memref<13312xi32, #tpu.memory_space<vmem>>, vector<16xi32>,
      }
      %scan3A_104 = arith.constant 64 : i32
    }
    %scan3A_67 = arith.constant 13 : i32
    "tpu.region"() ({
      %run_scoped3A = tpu.sem_alloc : memref<!tpu.dma_semaphore, #tpu.memory_space<semaphore_mem>>
      %dma_start3A_68 = tpu.memref_slice %arg6[%mul3A_62] : memref<425984xi32, #tpu.memory_space<hbm>> -> memref<13312xi32, #tpu.memory_space<hbm>>
      %dma_start3A_69 = tpu.memref_slice %arg6[%mul3A_62] : memref<425984xi32, #tpu.memory_space<hbm>> -> memref<13312xi32, #tpu.memory_space<hbm>>
      tpu.enqueue_dma source(%arg9 : memref<13312xi32, #tpu.memory_space<vmem>>) target(%dma_start3A_69 : memref<13312xi32, #tpu.memory_space<hbm>>) target_semaphore(%run_scoped3A : memref<!tpu.dma_semaphore, #tpu.memory_space<semaphore_mem>>)
      %dma_wait3A_70 = tpu.memref_slice %arg6[%mul3A_62] : memref<425984xi32, #tpu.memory_space<hbm>> -> memref<13312xi32, #tpu.memory_space<hbm>>
      %dma_wait3A_71 = tpu.memref_slice %arg6[%mul3A_62] : memref<425984xi32, #tpu.memory_space<hbm>> -> memref<13312xi32, #tpu.memory_space<hbm>>
      tpu.wait_dma2 semaphore(%run_scoped3A : memref<!tpu.dma_semaphore, #tpu.memory_space<semaphore_mem>>) src(%arg9 : memref<13312xi32, #tpu.memory_space<vmem>>) dst(%dma_wait3A_71 : memref<13312xi32, #tpu.memory_space<hbm>>)
      tpu.yield
    }) : () -> ()
    return
  }
}

#map = affine_map<(d0, d1) -> (0)>
#map1 = affine_map<(d0, d1) -> (0, 0)>
module attributes {stable_mosaic.version = 14 : i64} {
  func.func @body(%arg0: i32, %arg1: i32, %arg2: memref<425984xi32, #tpu.memory_space<hbm>>, %arg3: memref<2600000x16xf32, #tpu.memory_space<hbm>>, %arg4: memref<425984x16xf32, #tpu.memory_space<hbm>>, %arg5: memref<1664xi32, #tpu.memory_space<vmem>>, %arg6: memref<1664xi32, #tpu.memory_space<vmem>>, %arg7: memref<1664x16xf32, #tpu.memory_space<vmem>>, %arg8: memref<1664x16xf32, #tpu.memory_space<vmem>>, %arg9: memref<!tpu.dma_semaphore, #tpu.memory_space<semaphore_mem>>, %arg10: memref<!tpu.dma_semaphore, #tpu.memory_space<semaphore_mem>>, %arg11: memref<!tpu.dma_semaphore, #tpu.memory_space<semaphore_mem>>, %arg12: memref<!tpu.dma_semaphore, #tpu.memory_space<semaphore_mem>>, %arg13: memref<!tpu.dma_semaphore, #tpu.memory_space<semaphore_mem>>) attributes {dimension_semantics = [#tpu.dimension_semantics<core_parallel>, #tpu.dimension_semantics<subcore_parallel>], iteration_bounds = array<i64: 2, 16>, scalar_prefetch = 0 : i64, scratch_operands = 9 : i64, tpu.core_type = #tpu.core_type<sc_vector_subcore>, window_params = [{transform_indices = #map}, {transform_indices = #map1}, {transform_indices = #map1}]} {
    %mul3A = arith.constant 2 : i32
    %mul3A_0 = arith.muli %arg1, %mul3A : i32
    %add3A = arith.addi %mul3A_0, %arg0 : i32
    %mul3A_1 = arith.constant 13312 : i32
    %mul3A_2 = arith.muli %add3A, %mul3A_1 : i32
    %scan3A = arith.constant 0 : i32
    %scan3A_3 = arith.constant 0 : i32
    %scan3A_4 = arith.constant 8 : i32
    %scan3A_5 = arith.addi %scan3A_3, %scan3A_4 : i32
    %scan3A_6 = arith.constant 1 : i32
    scf.for %scan3A_8 = %scan3A_3 to %scan3A_5 step %scan3A_6  : i32 {
      %mul3A_9 = arith.constant 1664 : i32
      %mul3A_10 = arith.muli %scan3A_8, %mul3A_9 : i32
      %add3A_11 = arith.addi %mul3A_2, %mul3A_10 : i32
      "tpu.region"() ({
        %run_scoped3A = tpu.sem_alloc : memref<!tpu.dma_semaphore, #tpu.memory_space<semaphore_mem>>
        %dma_start3A_27 = tpu.memref_slice %arg2[%add3A_11] : memref<425984xi32, #tpu.memory_space<hbm>> -> memref<1664xi32, #tpu.memory_space<hbm>>
        %dma_start3A_28 = tpu.memref_slice %arg2[%add3A_11] : memref<425984xi32, #tpu.memory_space<hbm>> -> memref<1664xi32, #tpu.memory_space<hbm>>
        tpu.enqueue_dma source(%dma_start3A_28 : memref<1664xi32, #tpu.memory_space<hbm>>) target(%arg5 : memref<1664xi32, #tpu.memory_space<vmem>>) target_semaphore(%run_scoped3A : memref<!tpu.dma_semaphore, #tpu.memory_space<semaphore_mem>>)
        %dma_wait3A_29 = tpu.memref_slice %arg2[%add3A_11] : memref<425984xi32, #tpu.memory_space<hbm>> -> memref<1664xi32, #tpu.memory_space<hbm>>
        %dma_wait3A_30 = tpu.memref_slice %arg2[%add3A_11] : memref<425984xi32, #tpu.memory_space<hbm>> -> memref<1664xi32, #tpu.memory_space<hbm>>
        tpu.wait_dma2 semaphore(%run_scoped3A : memref<!tpu.dma_semaphore, #tpu.memory_space<semaphore_mem>>) src(%dma_wait3A_30 : memref<1664xi32, #tpu.memory_space<hbm>>) dst(%arg5 : memref<1664xi32, #tpu.memory_space<vmem>>)
        tpu.yield
      }) : () -> ()
      %scan3A_12 = arith.constant 0 : i32
      %scan3A_13 = arith.constant 0 : i32
      %mul3A_14 = arith.constant 1664 : i32
      %mul3A_15 = arith.muli %scan3A_13, %mul3A_14 : i32
      %dma_start3A = arith.constant 0 : i32
      %dma_start3A_16 = tpu.memref_slice %arg7[%mul3A_15, %dma_start3A] : memref<1664x16xf32, #tpu.memory_space<vmem>> -> memref<1664x16xf32, #tpu.memory_space<vmem>>
      %dma_start3A_17 = tpu.memref_slice %arg5[%mul3A_15] : memref<1664xi32, #tpu.memory_space<vmem>> -> memref<1664xi32, #tpu.memory_space<vmem>>
      %dma_start3A_18 = arith.constant 0 : i32
      %dma_start3A_19 = arith.constant 0 : i32
      %dma_start3A_20 = tpu.memref_slice %arg3[%dma_start3A_18, %dma_start3A_19] : memref<2600000x16xf32, #tpu.memory_space<hbm>> -> memref<2600000x16xf32, #tpu.memory_space<hbm>>
      tpu.enqueue_indirect_dma source(%dma_start3A_20 : memref<2600000x16xf32, #tpu.memory_space<hbm>>) target(%dma_start3A_16 : memref<1664x16xf32, #tpu.memory_space<vmem>>) offsets(%dma_start3A_17 : memref<1664xi32, #tpu.memory_space<vmem>>) semaphore(%arg10 : memref<!tpu.dma_semaphore, #tpu.memory_space<semaphore_mem>>)
      %dma_wait3A = arith.constant 0 : i32
      %dma_wait3A_21 = tpu.memref_slice %arg7[%mul3A_15, %dma_wait3A] : memref<1664x16xf32, #tpu.memory_space<vmem>> -> memref<1664x16xf32, #tpu.memory_space<vmem>>
      %dma_wait3A_22 = tpu.memref_slice %arg5[%mul3A_15] : memref<1664xi32, #tpu.memory_space<vmem>> -> memref<1664xi32, #tpu.memory_space<vmem>>
      %dma_wait3A_23 = arith.constant 0 : i32
      %dma_wait3A_24 = arith.constant 0 : i32
      %dma_wait3A_25 = tpu.memref_slice %arg3[%dma_wait3A_23, %dma_wait3A_24] : memref<2600000x16xf32, #tpu.memory_space<hbm>> -> memref<2600000x16xf32, #tpu.memory_space<hbm>>
      tpu.wait_indirect_dma semaphore(%arg10 : memref<!tpu.dma_semaphore, #tpu.memory_space<semaphore_mem>>) src(%dma_wait3A_25 : memref<2600000x16xf32, #tpu.memory_space<hbm>>) dst(%dma_wait3A_21 : memref<1664x16xf32, #tpu.memory_space<vmem>>)
      %scan3A_26 = arith.constant 1 : i32
      "tpu.region"() ({
        %run_scoped3A = tpu.sem_alloc : memref<!tpu.dma_semaphore, #tpu.memory_space<semaphore_mem>>
        %dma_start3A_27 = arith.constant 0 : i32
        %dma_start3A_28 = tpu.memref_slice %arg4[%add3A_11, %dma_start3A_27] : memref<425984x16xf32, #tpu.memory_space<hbm>> -> memref<1664x16xf32, #tpu.memory_space<hbm>>
        %dma_start3A_29 = arith.constant 0 : i32
        %dma_start3A_30 = tpu.memref_slice %arg4[%add3A_11, %dma_start3A_29] : memref<425984x16xf32, #tpu.memory_space<hbm>> -> memref<1664x16xf32, #tpu.memory_space<hbm>>
        tpu.enqueue_dma source(%arg7 : memref<1664x16xf32, #tpu.memory_space<vmem>>) target(%dma_start3A_30 : memref<1664x16xf32, #tpu.memory_space<hbm>>) target_semaphore(%run_scoped3A : memref<!tpu.dma_semaphore, #tpu.memory_space<semaphore_mem>>)
        %dma_wait3A_31 = arith.constant 0 : i32
        %dma_wait3A_32 = tpu.memref_slice %arg4[%add3A_11, %dma_wait3A_31] : memref<425984x16xf32, #tpu.memory_space<hbm>> -> memref<1664x16xf32, #tpu.memory_space<hbm>>
        %dma_wait3A_33 = arith.constant 0 : i32
        %dma_wait3A_34 = tpu.memref_slice %arg4[%add3A_11, %dma_wait3A_33] : memref<425984x16xf32, #tpu.memory_space<hbm>> -> memref<1664x16xf32, #tpu.memory_space<hbm>>
        tpu.wait_dma2 semaphore(%run_scoped3A : memref<!tpu.dma_semaphore, #tpu.memory_space<semaphore_mem>>) src(%arg7 : memref<1664x16xf32, #tpu.memory_space<vmem>>) dst(%dma_wait3A_34 : memref<1664x16xf32, #tpu.memory_space<hbm>>)
        tpu.yield
      }) : () -> ()
    }
    %scan3A_7 = arith.constant 8 : i32
    return
  }
}

</mosaic_0001>

<sc_bundles>
// kernel: kernel.4.cloned.1.call-start
scs
__scs_entry_jumppad:
0x0: {  	(pc) =	sbr.rel $0x88, $3  }
0x1: {  	(tag) =	ssettag $0x0;
	lr =	simm.s32 $0x1  }
0x2: {  	[smem:$0x3F9E] =	sst lr;
	_ =	strace $0xD0000000  }
0x3: {  	_ = 	snop  }
0x4: {  	_ = 	snop  }
0x5: {  	_ = 	snop  }
0x6: {  	_ = 	snop  }
0x7: {  	_ = 	snop  }
__scs_overlays_trampoline_lowered:
0x8: {  	[smem:$0x3FAD] =	sst s0  }
0x9: {  	[smem:$0x3FAE] =	sst s1  }
0xa: {  	[smem:$0x3FAF] =	sst s2  }
0xb: {  	[smem:$0x3FB0] =	sst s3  }
0xc: {  	[smem:$0x3FB1] =	sst s4  }
0xd: {  	[smem:$0x3FB2] =	sst s5  }
0xe: {  	[smem:$0x3FB3] =	sst s6  }
0xf: {  	[smem:$0x3FB4] =	sst s7  }
0x10: {  	[smem:$0x3FB5] =	sst s8  }
0x11: {  	[smem:$0x3FB6] =	sst s9;
	s0 =	simm.s32 @!p0 $0x0  }
0x12: {  	s1 =	sld [smem:$0x3F9C];
	s0 =	simm.s32 @p0 $0x1  }
0x13: {  	[smem:$0x3FB7] =	sst s0;
	s0 =	simm.s32 @!p1 $0x0  }
0x14: {  	s2 =	sld [smem:$0x3F9B];
	s0 =	simm.s32 @p1 $0x1  }
0x15: {  	[smem:$0x3FB8] =	sst s0;
	s0 =	simm.s32 @!p2 $0x0  }
0x16: {  	s3 =	sld [smem:$0x3FDB];
	s0 =	simm.s32 @p2 $0x1  }
0x17: {  	s4 =	simm.s32 $0x1BF5;
	[smem:$0x3FBA] =	sst s0  }
0x18: {  	s0 =	sld [smem:$0x3F9D];
	_ =	swait.ge [sflag:s4], $0x0  }
0x19: {  	s7 =	sld [smem:$0x3F9E]  }
0x1a: {  	s8 =	sadd.s32 $0xFFFFE003, lr  }
0x1b: {  	s9 =	sadd.s32 $0xFFFFFEF7, lr;
	s5 =	simm.s32 $0xFFFFFFFF;
	p2 =	slt.u32 s8, $0xFFFFF086  }
0x1c: {  	p1 =	slt.u32 s9, $0xF7A;
	s5 =	simm.s32 @!p2 $0x0  }
0x1d: {  	s5 =	simm.s32 @p1 $0x1;
	p0 =	seq.s32 s7, s2  }
0x1e: {  	s7 =	smul.u32 @!p0 $0xF7A, s2;
	p2 =	seq.s32 @!p0 s5, $0x0  }
0x1f: {  	s9 =	smul.u32 $0xF7A, s1;
	s8 =	simm.s32 @!p0 $0x1BF5;
	p2 =	por !p2, p0  }
0x20: {  	[sflag:s8] =	ssyncset.s32 @!p0 $0xFFFFF086;
	s6 =	sadd.s32 @!p0 s3, s7;
	s7 =	simm.s32 @!p0 $0x108  }
0x21: {  	s3 =	sadd.s32 s3, s9;
	s6 =	sadd.s32 @!p0 $0x88, s6;
	s7 =	simm.s32 @p2 $0x1082  }
0x22: {  	[simem:s7], [sflag:s8] =	dma.local @!p0 [hbm:s6], $0xF7A  }
0x23: {  	s9 =	sor.u32 $0xD0000000, s2;
	s6 =	simm.s32 $0x108;
	_ =	swait.ge @!p0 [sflag:s8], $0x0  }
0x24: {  	s3 =	sadd.s32 $0x88, s3;
	s6 =	simm.s32 @!p1 $0x1082;
	[sflag:s4] =	ssyncset.s32 $0xFFFFF086  }
0x25: {  	[simem:s6], [sflag:s4] =	dma.local [hbm:s3], $0xF7A  }
0x26: {  	[smem:$0x3F9E] =	sst s1;
	(tag) =	ssettag s2;
	_ =	strace s9  }
0x27: {  	s1 =	sld [smem:$0x3FAE]  }
0x28: {  	s2 =	sld [smem:$0x3FAF]  }
0x29: {  	s4 =	sld [smem:$0x3FB1]  }
0x2a: {  	p0 =	seq.s32 s5, $0x0;
	s5 =	sld [smem:$0x3FB2]  }
0x2b: {  	s6 =	sld [smem:$0x3FB3]  }
0x2c: {  	s7 =	sld [smem:$0x3FB4]  }
0x2d: {  	s3 =	simm.s32 $0x108;
	s8 =	sld [smem:$0x3FB5]  }
0x2e: {  	s3 =	simm.s32 @!p0 $0x1082;
	s9 =	sld [smem:$0x3FB6]  }
0x2f: {  	lr =	sadd.s32 s0, s3;
	s0 =	sld [smem:$0x3FAD]  }
0x30: {  	s3 =	sld [smem:$0x3FB0]  }
0x31: {  	[smem:$0x3FB9] =	sst s10  }
0x32: {  	s10 =	sld [smem:$0x3FB7];
	_ =	sdelay $0x3  }
0x33: {  	p0 =	seq.s32 s10, $0x1;
	s10 =	sld [smem:$0x3FB9];
	_ =	sdelay $0x3  }
0x34: {  	[smem:$0x3FB9] =	sst s10  }
0x35: {  	s10 =	sld [smem:$0x3FB8];
	_ =	sdelay $0x3  }
0x36: {  	p1 =	seq.s32 s10, $0x1;
	s10 =	sld [smem:$0x3FB9];
	_ =	sdelay $0x3  }
0x37: {  	[smem:$0x3FB9] =	sst s10  }
0x38: {  	s10 =	sld [smem:$0x3FBA]  }
0x39: {  	_ = 	snop;
	(pc) =	sbr.ind lr, $3  }
0x3a: {  	_ = 	snop  }
0x3b: {  	_ = 	snop  }
0x3c: {  	p2 =	seq.s32 s10, $0x1;
	s10 =	sld [smem:$0x3FB9]  }
0x3d: {  	_ =	shalt  }
0x3e: {  	_ =	shalt  }
0x3f: {  	_ =	shalt  }
0x40: {  	_ =	shalt  }
0x41: {  	_ =	shalt  }
0x42: {  	_ =	shalt  }
0x43: {  	_ =	shalt  }
0x44: {  	_ =	shalt  }
0x45: {  	_ =	shalt  }
0x46: {  	_ =	shalt  }
0x47: {  	_ =	shalt  }
0x48: {  	_ =	shalt  }
0x49: {  	_ =	shalt  }
0x4a: {  	_ =	shalt  }
0x4b: {  	_ =	shalt  }
0x4c: {  	_ =	shalt  }
0x4d: {  	_ =	shalt  }
0x4e: {  	_ =	shalt  }
0x4f: {  	_ =	shalt  }
0x50: {  	_ =	shalt  }
0x51: {  	_ =	shalt  }
0x52: {  	_ =	shalt  }
0x53: {  	_ =	shalt  }
0x54: {  	_ =	shalt  }
0x55: {  	_ =	shalt  }
0x56: {  	_ =	shalt  }
0x57: {  	_ =	shalt  }
0x58: {  	_ =	shalt  }
0x59: {  	_ =	shalt  }
0x5a: {  	_ =	shalt  }
0x5b: {  	_ =	shalt  }
0x5c: {  	_ =	shalt  }
0x5d: {  	_ =	shalt  }
0x5e: {  	_ =	shalt  }
0x5f: {  	_ =	shalt  }
0x60: {  	_ =	shalt  }
0x61: {  	_ =	shalt  }
0x62: {  	_ =	shalt  }
0x63: {  	_ =	shalt  }
0x64: {  	_ =	shalt  }
0x65: {  	_ =	shalt  }
0x66: {  	_ =	shalt  }
0x67: {  	_ =	shalt  }
0x68: {  	_ =	shalt  }
0x69: {  	_ =	shalt  }
0x6a: {  	_ =	shalt  }
0x6b: {  	_ =	shalt  }
0x6c: {  	_ =	shalt  }
0x6d: {  	_ =	shalt  }
0x6e: {  	_ =	shalt  }
0x6f: {  	_ =	shalt  }
0x70: {  	_ =	shalt  }
0x71: {  	_ =	shalt  }
0x72: {  	_ =	shalt  }
0x73: {  	_ =	shalt  }
0x74: {  	_ =	shalt  }
0x75: {  	_ =	shalt  }
0x76: {  	_ =	shalt  }
0x77: {  	_ =	shalt  }
0x78: {  	_ =	shalt  }
0x79: {  	_ =	shalt  }
0x7a: {  	_ =	shalt  }
0x7b: {  	_ =	shalt  }
0x7c: {  	_ =	shalt  }
0x7d: {  	_ =	shalt  }
0x7e: {  	_ =	shalt  }
0x7f: {  	_ =	shalt  }
0x80: {  	_ =	shalt  }
0x81: {  	_ =	shalt  }
0x82: {  	_ =	shalt  }
0x83: {  	_ =	shalt  }
0x84: {  	_ =	shalt  }
0x85: {  	_ =	shalt  }
0x86: {  	_ =	shalt  }
0x87: {  	_ =	shalt  }
.Lfunc_end0:
.L_simem_size_0:
called_computation_lowered:
.L_overlay_start_0:
0x88: {  	s2 =	sld [smem:$0x3FD9]  }
0x89: {  	s3 =	sld [smem:$0x3FFE];
	_ =	sdelay $0x1  }
0x8a: {  	s1 =	srdreg.scid  }
0x8b: {  	s0 =	sand.u32 $0x1, s1  }
0x8c: {  	s17 =	sshll.u32 s0, $0xA;
	s2 =	sadd.s32 s3, s2  }
0x8d: {  	s2 =	sadd.s32 s2, s17  }
0x8e: {  	[smem:$0x3FC5] =	sst s2  }
0x8f: {  	_ = 	snop  }
0x90: {  	s2 =	sld [smem:$0x3FC9]  }
0x91: {  	s18 =	sld [smem:$0x3FC8]  }
0x92: {  	s4 =	sld [smem:$0x3FC7];
	(tm) =	ssettm $0x1  }
0x93: {  	s5 =	sld [smem:$0x3FFB];
	_ =	sdelay $0x3  }
0x94: {  	_ =	strace s5  }
0x95: {  	s5 =	sld [smem:$0x3FFC];
	_ =	sdelay $0x3  }
0x96: {  	_ =	strace s5  }
0x97: {  	s5 =	sld [smem:$0x3FFD];
	_ =	sdelay $0x3  }
0x98: {  	_ =	strace s5  }
0x99: {  	_ =	strace $0x8FFFFFFF  }
0x9a: {  	s19 =	sld [smem:$0x3FDB];
	_ =	sdelay $0x1  }
0x9b: {  	s6 =	simm.s32 $_scs_section_size  }
0x9c: {  	s7 =	simm.s32 $_size__tile_overlayer_lowered;
	s8 =	simm.s32 $_tile_overlayer_lowered  }
0x9d: {  	s22 =	simm.s32 $0x1BFF;
	s21 =	sshll.u32 s8, $0x1;
	s5 =	sadd.s32 s6, s19  }
0x9e: {  	s9 =	simm.s32 $0x0;
	s20 =	sshll.u32 s7, $0x1;
	s7 =	sadd.s32 s21, s5  }
0x9f: {  	[timem:s9], [sflag:s22] =	dma.local [hbm:s7], s20  }
0xa0: {  	_ =	swait.ge [sflag:s22], s20  }
0xa1: {  	s6 =	ssub.s32 $0x0, s20;
	[sflag:s22] =	ssyncset.done $0x0  }
0xa2: {  	[sflag:s22] =	ssyncadd.s32 s6;
	_ =	sdelay $0x1  }
0xa3: {  	s23 =	simm.s32 $0x1B8B  }
0xa4: {  	_ =	swait.ge [sflag:s23], $0x1  }
0xa5: {  	[sflag:s23] =	ssyncset.done $0x0  }
0xa6: {  	s25 =	simm.s32 $0x1B8E;
	s24 =	sld [smem:$0x3FFE];
	[sflag:s23] =	ssyncadd.s32 $0xFFFFFFFF  }
0xa7: {  	s26 =	simm.s32 $execute0_lowered;
	[smem:$0x3FD2] =	sst s25  }
0xa8: {  	s7 =	sshll.u32 s26, $0x1;
	_ =	strace $0x80000046;
	[dreg:$0x1] =	wrdreg $0xFFFFFFFF  }
0xa9: {  	s28 =	simm.s32 $_size_execute0_lowered;
	s5 =	sadd.s32 s5, s7;
	[dreg:$0x0] =	wrdreg $0x0  }
0xaa: {  	s7 =	sshll.u32 s28, $0x1;
	[dreg:$0x2] =	wrdreg s5  }
0xab: {  	[dreg:$0x3] =	wrdreg s7  }
0xac: {  	[dreg:$0x4] =	wrdreg $0xC0  }
0xad: {  	_ =	task [dreg:s9], $0x5FFFF  }
0xae: {  	[dreg:$0x1] =	wrdreg $0xFFFFFFFF  }
0xaf: {  	[dreg:$0x0] =	wrdreg $0x60  }
0xb0: {  	[dreg:$0x2] =	wrdreg s18  }
0xb1: {  	[dreg:$0x3] =	wrdreg s2  }
0xb2: {  	[dreg:$0x4] =	wrdreg s4  }
0xb3: {  	[dreg:$0x5] =	wrdreg s24  }
0xb4: {  	[dreg:$0x6] =	wrdreg $0x9  }
0xb5: {  	_ =	task.clear_ibuf [dreg:s9], $0x7FFFF;
	_ =	strace $0x90000046  }
0xb6: {  	s29 =	simm.s32 $0x9;
	_ =	strace $0x80000048  }
0xb7: {  	_ =	swait.ge [sflag:s29], $0x1  }
0xb8: {  	[sflag:s29] =	ssyncadd.s32 $0xFFFFFFFF  }
0xb9: {  	_ =	strace $0x90000048  }
0xba: {  	_ =	sfence  }
0xbb: {  	s30 =	sld [smem:$0x0];
	_ =	sdelay $0x2  }
0xbc: {  	s31 =	sshll.u32 s1, $0xD;
	s1 =	sshrl.u32 s1, $0x2  }
0xbd: {  	s3 =	sand.u32 $0x4000, s31;
	s1 =	sadd.s32 s1, s30  }
0xbe: {  	s0 =	sor.u32 s3, s0;
	s1 =	sshll.u32 s1, $0x11  }
0xbf: {  	s0 =	sor.u32 s1, s0  }
0xc0: {  	s0 =	sadd.s32 $0x8F2B, s0  }
0xc1: {  	[sflag:s0] =	ssyncadd.remote.s32 $0x1  }
0xc2: {  	_ =	sfence.sel $0xFFFF  }
0xc3: {  	[dreg:$0x0] =	wrdreg $0xFFFFFFFF;
	(pc) =	sbr.abs _section_cstart, $3  }
0xc4: {  	[dreg:$0x1] =	wrdreg $0xFFFFFFFF  }
0xc5: {  	_ =	task.clear_ibuf [dreg:s9], $0x2FFFF;
	_ =	strace $0x9FFFFFFF  }
0xc6: {  	(tm) =	ssettm $0x7FFFFFFF  }
0xc7: {  	_ =	shalt  }
tec
execute0_lowered:
.L_overlay_start_1:
0x0: {  	(tag) =	ssettag $0x1  }
0x1: {  	s1 =	rddreg [dreg:$0x0]  }
0x2: {  	s2 =	rddreg [dreg:$0x1]  }
0x3: {  	s4 =	rddreg [dreg:$0x2];
	s3 =	srdreg.scid  }
0x4: {  	s0 =	stileid.u32;
	s8 =	rddreg [dreg:$0x3]  }
0x5: {  	s5 =	simm.s32 $0x0;
	s14 =	simm.s32 $0x13D6400;
	s15 =	simm.s32 $0x1  }
0x6: {  	s16 =	simm.s32 $0x2;
	s17 =	simm.s32 $0x5400;
	s18 =	simm.s32 $0x3  }
0x7: {  	s19 =	simm.s32 $0x80;
	s20 =	simm.s32 $0x2000;
	s21 =	simm.s32 $0x0  }
0x8: {  	s9 =	sand.u32 $0x1, s3;
	s6 =	sshll.u32 s0, $0x1;
	s3 =	rddreg [dreg:$0x4]  }
0x9: {  	[smem:$0x7FF] =	sst s5;
	s7 =	sadd.s32 $0xC00, s8;
	s10 =	sor.u32 s9, s6  }
0xa: {  	p0 =	slt.u32 s0, $0xC;
	s12 =	ssub.s32 $0x2, s9;
	s6 =	smul.u32 $0x3400, s10  }
0xb: {  	_ =	strace $0x80000047;
	s31 =	smul.u32 $0x27A, s10;
	s13 =	sshrl.u32 s12, $0x1  }
0xc: {  	s10 =	smin.u32 s10, $0x18;
	s12 =	ssub.s32 s12, s13;
	s13 =	simm.s32 $0x400  }
0xd: {  	s11 =	sshrl.u32 s6, $0x3;
	s9 =	sadd.s32 s10, s31;
	s12 =	smax.u32 s12, $0x1  }
0xe: {  	v0 =	vlaneseq.u32;
	s11 =	sadd.s32 s11, s8;
	s8 =	simm.s32 $0x27B;
	s10 =	sshll.u32 s9, $0x7  }
0xf: {  	v0 =	vmul.u32 $0x80, v0;
	s8 =	simm.s32 @!p0 $0x27A;
	s10 =	sadd.s32 s1, s10;
	s11 =	sadd.s32 $0x4F6600, s11  }
.LBB2_1:
0x10: {  	[tilespmem:s5], [sflag:$0x1] =	stream.strided.gather [hbm4b:s10+s13], $0x800, s14, s13, $0x38;
	[tilespmem:$0x5480] =	vst v63  }
0x11: {  	p0 =	por $0x0, $0x0;
	s22 =	simm.s32 $0x0  }
.LBB2_2:
0x12: {  	s24 =	smov.u32 s22;
	s22 =	sadd.s32 $0x1, s22  }
0x13: {  	s23 =	sadd.s32 s9, s24;
	p1 =	sge.u32 s22, s8  }
0x14: {  	_ =	swait.ge [sflag:s15], $0x800;
	s26 =	simm.s32 $0x0;
	s25 =	sshll.u32 @!p1 s23, $0x7  }
0x15: {  	[sflag:s15] =	ssyncset.done $0x0;
	v1 =	vmov s26;
	s28 =	sshll.u32 @!p1 s22, $0xB;
	s25 =	sand.u32 @!p1 $0x1FFFFF80, s25  }
0x16: {  	[sflag:s15] =	ssyncadd.s32 $0xFFFFF800;
	v1 =	vand.u32 $0x70, v1;
	s29 =	simm.s32 @!p1 $0x13D6400;
	s25 =	sadd.s32 @!p1 s1, s25  }
0x17: {  	s26 =	sand.u32 @!p1 $0x800, s28;
	s28 =	simm.s32 @!p1 $0x400;
	v1 =	vbroadcast v1, $0x0;
	s25 =	sadd.s32 @!p1 $0x80, s25  }
0x18: {  	[tilespmem:s26], [sflag:$0x1] =	stream.strided.gather @!p1 [hbm4b:s25+s28], $0x800, s29, s28, $0x38;
	[tilespmem:$0x5480] =	vst v63  }
0x19: {  	v1 =	vor.u32 v0, v1;
	p1 =	seq.s32 s24, $0x0  }
0x1a: {  	s31 =	simm.s32 $0x1;
	s25 =	simm.s32 @!p1 $0x2  }
0x1b: {  	v2 =	vmov s31;
	_ =	swait.ge @!p1 [sflag:s25], $0x800  }
0x1c: {  	v2 =	vand.u32 $0x71, v2;
	s24 =	sshll.u32 s24, $0xB;
	[sflag:s25] =	ssyncset.done @!p1 $0x0  }
0x1d: {  	v2 =	vbroadcast v2, $0x0;
	s24 =	sand.u32 $0x800, s24;
	[sflag:s25] =	ssyncadd.s32 @!p1 $0xFFFFF800  }
0x1e: {  	v1 =	vld.idx.msk [tilespmem:v1+s24+$0x0], $0xffff  }
0x1f: {  	v2 =	vor.u32 v0, v2;
	s25 =	simm.s32 $0x1  }
0x20: {  	s31 =	simm.s32 $0x2;
	s25 =	simm.s32 @!p0 $0x0  }
0x21: {  	v3 =	vmov s31;
	s25 =	sshll.u32 s25, $0xB  }
0x22: {  	v3 =	vand.u32 $0x72, v3;
	s26 =	sor.u32 $0x1080, s25  }
0x23: {  	[tilespmem:s26+$0xFFFFFF80] =	vst v1;
	v1 =	vbroadcast v3, $0x0  }
0x24: {  	v2 =	vld.idx.msk [tilespmem:v2+s24+$0x0], $0xffff  }
0x25: {  	v1 =	vor.u32 v0, v1  }
0x26: {  	s31 =	simm.s32 $0x3  }
0x27: {  	v3 =	vmov s31  }
0x28: {  	v3 =	vand.u32 $0x73, v3  }
0x29: {  	[tilespmem:s26+$0xFFFFFF90] =	vst v2;
	v2 =	vbroadcast v3, $0x0  }
0x2a: {  	v1 =	vld.idx.msk [tilespmem:v1+s24+$0x0], $0xffff  }
0x2b: {  	v2 =	vor.u32 v0, v2  }
0x2c: {  	s31 =	simm.s32 $0x4  }
0x2d: {  	v3 =	vmov s31  }
0x2e: {  	v3 =	vand.u32 $0x74, v3  }
0x2f: {  	[tilespmem:s26+$0xFFFFFFA0] =	vst v1;
	v1 =	vbroadcast v3, $0x0  }
0x30: {  	v2 =	vld.idx.msk [tilespmem:v2+s24+$0x0], $0xffff  }
0x31: {  	v1 =	vor.u32 v0, v1  }
0x32: {  	s31 =	simm.s32 $0x5  }
0x33: {  	v3 =	vmov s31  }
0x34: {  	v3 =	vand.u32 $0x75, v3  }
0x35: {  	[tilespmem:s26+$0xFFFFFFB0] =	vst v2;
	v2 =	vbroadcast v3, $0x0  }
0x36: {  	v1 =	vld.idx.msk [tilespmem:v1+s24+$0x0], $0xffff  }
0x37: {  	v2 =	vor.u32 v0, v2  }
0x38: {  	s31 =	simm.s32 $0x6  }
0x39: {  	v3 =	vmov s31  }
0x3a: {  	v3 =	vand.u32 $0x76, v3  }
0x3b: {  	[tilespmem:s26+$0xFFFFFFC0] =	vst v1;
	v1 =	vbroadcast v3, $0x0  }
0x3c: {  	v2 =	vld.idx.msk [tilespmem:v2+s24+$0x0], $0xffff  }
0x3d: {  	v1 =	vor.u32 v0, v1  }
0x3e: {  	s31 =	simm.s32 $0x7  }
0x3f: {  	v3 =	vmov s31  }
0x40: {  	v3 =	vand.u32 $0x77, v3  }
0x41: {  	[tilespmem:s26+$0xFFFFFFD0] =	vst v2;
	v2 =	vbroadcast v3, $0x0  }
0x42: {  	v1 =	vld.idx.msk [tilespmem:v1+s24+$0x0], $0xffff  }
0x43: {  	v2 =	vor.u32 v0, v2  }
0x44: {  	s31 =	simm.s32 $0x8  }
0x45: {  	v3 =	vmov s31  }
0x46: {  	v3 =	vand.u32 $0x78, v3  }
0x47: {  	[tilespmem:s26+$0xFFFFFFE0] =	vst v1;
	v1 =	vbroadcast v3, $0x0  }
0x48: {  	v2 =	vld.idx.msk [tilespmem:v2+s24+$0x0], $0xffff  }
0x49: {  	v1 =	vor.u32 v0, v1  }
0x4a: {  	s31 =	simm.s32 $0x9  }
0x4b: {  	v3 =	vmov s31  }
0x4c: {  	v3 =	vand.u32 $0x79, v3  }
0x4d: {  	[tilespmem:s26+$0xFFFFFFF0] =	vst v2;
	v2 =	vbroadcast v3, $0x0  }
0x4e: {  	v1 =	vld.idx.msk [tilespmem:v1+s24+$0x0], $0xffff  }
0x4f: {  	v2 =	vor.u32 v0, v2  }
0x50: {  	s31 =	simm.s32 $0xA  }
0x51: {  	v3 =	vmov s31  }
0x52: {  	v3 =	vand.u32 $0x7A, v3  }
0x53: {  	[tilespmem:s26+$0x0] =	vst v1;
	v1 =	vbroadcast v3, $0x0  }
0x54: {  	v2 =	vld.idx.msk [tilespmem:v2+s24+$0x0], $0xffff  }
0x55: {  	v1 =	vor.u32 v0, v1  }
0x56: {  	s31 =	simm.s32 $0xB  }
0x57: {  	v3 =	vmov s31  }
0x58: {  	v3 =	vand.u32 $0x7B, v3  }
0x59: {  	[tilespmem:s26+$0x10] =	vst v2;
	v2 =	vbroadcast v3, $0x0  }
0x5a: {  	v1 =	vld.idx.msk [tilespmem:v1+s24+$0x0], $0xffff  }
0x5b: {  	v2 =	vor.u32 v0, v2  }
0x5c: {  	s31 =	simm.s32 $0xC  }
0x5d: {  	v3 =	vmov s31  }
0x5e: {  	v3 =	vand.u32 $0x7C, v3  }
0x5f: {  	[tilespmem:s26+$0x20] =	vst v1;
	v1 =	vbroadcast v3, $0x0  }
0x60: {  	v2 =	vld.idx.msk [tilespmem:v2+s24+$0x0], $0xffff  }
0x61: {  	v1 =	vor.u32 v0, v1  }
0x62: {  	s31 =	simm.s32 $0xD  }
0x63: {  	v3 =	vmov s31  }
0x64: {  	v3 =	vand.u32 $0x7D, v3  }
0x65: {  	[tilespmem:s26+$0x30] =	vst v2;
	v2 =	vbroadcast v3, $0x0  }
0x66: {  	v1 =	vld.idx.msk [tilespmem:v1+s24+$0x0], $0xffff  }
0x67: {  	v2 =	vor.u32 v0, v2  }
0x68: {  	s31 =	simm.s32 $0xE  }
0x69: {  	v3 =	vmov s31  }
0x6a: {  	v3 =	vand.u32 $0x7E, v3  }
0x6b: {  	[tilespmem:s26+$0x40] =	vst v1;
	v1 =	vbroadcast v3, $0x0  }
0x6c: {  	v2 =	vld.idx.msk [tilespmem:v2+s24+$0x0], $0xffff  }
0x6d: {  	v1 =	vor.u32 v0, v1  }
0x6e: {  	s31 =	simm.s32 $0xF  }
0x6f: {  	v3 =	vmov s31  }
0x70: {  	v3 =	vand.u32 $0x7F, v3  }
0x71: {  	v3 =	vbroadcast v3, $0x0;
	[tilespmem:s26+$0x50] =	vst v2  }
0x72: {  	v1 =	vld.idx.msk [tilespmem:v1+s24+$0x0], $0xffff  }
0x73: {  	v2 =	vor.u32 v0, v3  }
0x74: {  	s30 =	simm.s32 $0x10  }
0x75: {  	s28 =	simm.s32 $0x1F;
	s29 =	simm.s32 $0x2F;
	s25 =	sor.u32 $0x1000, s24  }
.LBB2_3:
0x76: {  	p1 =	sne.s32 s29, $0x7F;
	v3 =	vmov s30  }
0x77: {  	v3 =	vand.u32 $0x70, v3;
	[tilespmem:s26+$0x60] =	vst v1  }
0x78: {  	v1 =	vbroadcast v3, $0x0;
	v2 =	vld.idx.msk [tilespmem:v2+s24+$0x0], $0xffff;
	_ =	sdelay $0x1  }
0x79: {  	v1 =	vor.u32 v0, v1;
	_ =	sdelay $0x1  }
0x7a: {  	s30 =	sadd.s32 $0xFFFFFFF2, s28  }
0x7b: {  	v3 =	vmov s30  }
0x7c: {  	v3 =	vand.u32 $0x71, v3;
	[tilespmem:s26+$0x70] =	vst v2  }
0x7d: {  	v2 =	vbroadcast v3, $0x0;
	v1 =	vld.idx.msk [tilespmem:v1+s24+$0x0], $0xffff;
	_ =	sdelay $0x1  }
0x7e: {  	v2 =	vor.u32 v0, v2;
	_ =	sdelay $0x1  }
0x7f: {  	s30 =	sadd.s32 $0xFFFFFFF3, s28  }
0x80: {  	v3 =	vmov s30;
	s26 =	sadd.s32 $0x100, s26  }
0x81: {  	[tilespmem:s26+$0xFFFFFF80] =	vst v1;
	v1 =	vand.u32 $0x72, v3  }
0x82: {  	v2 =	vld.idx.msk [tilespmem:v2+s24+$0x0], $0xffff;
	v1 =	vbroadcast v1, $0x0;
	_ =	sdelay $0x1  }
0x83: {  	v1 =	vor.u32 v0, v1;
	_ =	sdelay $0x1  }
0x84: {  	s30 =	sadd.s32 $0xFFFFFFF4, s28  }
0x85: {  	v3 =	vmov s30  }
0x86: {  	[tilespmem:s26+$0xFFFFFF90] =	vst v2;
	v2 =	vand.u32 $0x73, v3  }
0x87: {  	v1 =	vld.idx.msk [tilespmem:v1+s24+$0x0], $0xffff;
	v2 =	vbroadcast v2, $0x0;
	_ =	sdelay $0x1  }
0x88: {  	v2 =	vor.u32 v0, v2;
	_ =	sdelay $0x1  }
0x89: {  	s30 =	sadd.s32 $0xFFFFFFF5, s28  }
0x8a: {  	v3 =	vmov s30  }
0x8b: {  	[tilespmem:s26+$0xFFFFFFA0] =	vst v1;
	v1 =	vand.u32 $0x74, v3  }
0x8c: {  	v2 =	vld.idx.msk [tilespmem:v2+s24+$0x0], $0xffff;
	v1 =	vbroadcast v1, $0x0;
	_ =	sdelay $0x1  }
0x8d: {  	v1 =	vor.u32 v0, v1;
	_ =	sdelay $0x1  }
0x8e: {  	s30 =	sadd.s32 $0xFFFFFFF6, s28  }
0x8f: {  	v3 =	vmov s30  }
0x90: {  	[tilespmem:s26+$0xFFFFFFB0] =	vst v2;
	v2 =	vand.u32 $0x75, v3  }
0x91: {  	v1 =	vld.idx.msk [tilespmem:v1+s24+$0x0], $0xffff;
	v2 =	vbroadcast v2, $0x0;
	_ =	sdelay $0x1  }
0x92: {  	v2 =	vor.u32 v0, v2;
	_ =	sdelay $0x1  }
0x93: {  	s30 =	sadd.s32 $0xFFFFFFF7, s28  }
0x94: {  	v3 =	vmov s30  }
0x95: {  	[tilespmem:s26+$0xFFFFFFC0] =	vst v1;
	v1 =	vand.u32 $0x76, v3  }
0x96: {  	v2 =	vld.idx.msk [tilespmem:v2+s24+$0x0], $0xffff;
	v1 =	vbroadcast v1, $0x0;
	_ =	sdelay $0x1  }
0x97: {  	v1 =	vor.u32 v0, v1;
	_ =	sdelay $0x1  }
0x98: {  	s30 =	sadd.s32 $0xFFFFFFF8, s28  }
0x99: {  	v3 =	vmov s30  }
0x9a: {  	[tilespmem:s26+$0xFFFFFFD0] =	vst v2;
	v2 =	vand.u32 $0x77, v3  }
0x9b: {  	v1 =	vld.idx.msk [tilespmem:v1+s24+$0x0], $0xffff;
	v2 =	vbroadcast v2, $0x0;
	_ =	sdelay $0x1  }
0x9c: {  	v2 =	vor.u32 v0, v2;
	_ =	sdelay $0x1  }
0x9d: {  	s30 =	sadd.s32 $0xFFFFFFF9, s28  }
0x9e: {  	v3 =	vmov s30  }
0x9f: {  	[tilespmem:s26+$0xFFFFFFE0] =	vst v1;
	v1 =	vand.u32 $0x78, v3  }
0xa0: {  	v2 =	vld.idx.msk [tilespmem:v2+s24+$0x0], $0xffff;
	v1 =	vbroadcast v1, $0x0;
	_ =	sdelay $0x1  }
0xa1: {  	v1 =	vor.u32 v0, v1;
	_ =	sdelay $0x1  }
0xa2: {  	s30 =	sadd.s32 $0xFFFFFFFA, s28  }
0xa3: {  	v3 =	vmov s30  }
0xa4: {  	[tilespmem:s26+$0xFFFFFFF0] =	vst v2;
	v2 =	vand.u32 $0x79, v3  }
0xa5: {  	v1 =	vld.idx.msk [tilespmem:v1+s24+$0x0], $0xffff;
	v2 =	vbroadcast v2, $0x0;
	_ =	sdelay $0x1  }
0xa6: {  	v2 =	vor.u32 v0, v2;
	_ =	sdelay $0x1  }
0xa7: {  	s30 =	sadd.s32 $0xFFFFFFFB, s28  }
0xa8: {  	v3 =	vmov s30  }
0xa9: {  	[tilespmem:s26+$0x0] =	vst v1;
	v1 =	vand.u32 $0x7A, v3  }
0xaa: {  	v2 =	vld.idx.msk [tilespmem:v2+s24+$0x0], $0xffff;
	v1 =	vbroadcast v1, $0x0;
	_ =	sdelay $0x1  }
0xab: {  	v1 =	vor.u32 v0, v1;
	_ =	sdelay $0x1  }
0xac: {  	s30 =	sadd.s32 $0xFFFFFFFC, s28  }
0xad: {  	v3 =	vmov s30  }
0xae: {  	[tilespmem:s26+$0x10] =	vst v2;
	v2 =	vand.u32 $0x7B, v3  }
0xaf: {  	v1 =	vld.idx.msk [tilespmem:v1+s24+$0x0], $0xffff;
	v2 =	vbroadcast v2, $0x0;
	_ =	sdelay $0x1  }
0xb0: {  	v2 =	vor.u32 v0, v2;
	_ =	sdelay $0x1  }
0xb1: {  	s30 =	sadd.s32 $0xFFFFFFFD, s28  }
0xb2: {  	v3 =	vmov s30  }
0xb3: {  	[tilespmem:s26+$0x20] =	vst v1;
	v1 =	vand.u32 $0x7C, v3  }
0xb4: {  	v2 =	vld.idx.msk [tilespmem:v2+s24+$0x0], $0xffff;
	v1 =	vbroadcast v1, $0x0;
	_ =	sdelay $0x1  }
0xb5: {  	v1 =	vor.u32 v0, v1;
	_ =	sdelay $0x1  }
0xb6: {  	s30 =	sadd.s32 $0xFFFFFFFE, s28  }
0xb7: {  	v3 =	vmov s30  }
0xb8: {  	[tilespmem:s26+$0x30] =	vst v2;
	v2 =	vand.u32 $0x7D, v3  }
0xb9: {  	v1 =	vld.idx.msk [tilespmem:v1+s24+$0x0], $0xffff;
	v2 =	vbroadcast v2, $0x0;
	_ =	sdelay $0x1  }
0xba: {  	v2 =	vor.u32 v0, v2;
	_ =	sdelay $0x1  }
0xbb: {  	s30 =	sadd.s32 $0xFFFFFFFF, s28  }
0xbc: {  	v3 =	vmov s30  }
0xbd: {  	[tilespmem:s26+$0x40] =	vst v1;
	v1 =	vand.u32 $0x7E, v3  }
0xbe: {  	v2 =	vld.idx.msk [tilespmem:v2+s24+$0x0], $0xffff;
	v1 =	vbroadcast v1, $0x0;
	_ =	sdelay $0x1  }
0xbf: {  	v1 =	vor.u32 v0, v1;
	_ =	sdelay $0x2  }
0xc0: {  	v3 =	vmov s28;
	s28 =	smov.u32 s29  }
0xc1: {  	[tilespmem:s26+$0x50] =	vst v2;
	v2 =	vand.u32 $0x7F, v3  }
.Ltmp0:
0xc2: {  	v1 =	vld.idx.msk [tilespmem:v1+s24+$0x0], $0xffff;
	v2 =	vbroadcast v2, $0x0;
	(pc) =	sbr.rel @p1 .LBB2_3-.Ltmp0, $3  }
0xc3: {  	_ = 	snop  }
0xc4: {  	v2 =	vor.u32 v0, v2;
	_ =	sdelay $0x1  }
0xc5: {  	s29 =	sadd.s32 $0x10, s29;
	s30 =	sadd.s32 $0xFFFFFFF1, s28  }
0xc6: {  	_ = 	snop  }
0xc7: {  	v3 =	vmov s30  }
0xc8: {  	v3 =	vand.u32 $0x70, v3  }
0xc9: {  	[tilespmem:s26+$0x60] =	vst v1;
	v1 =	vbroadcast v3, $0x0  }
0xca: {  	v2 =	vld.idx.msk [tilespmem:v2+s24+$0x0], $0xffff  }
0xcb: {  	v1 =	vor.u32 v0, v1  }
0xcc: {  	s29 =	sadd.s32 $0xFFFFFFF2, s28  }
0xcd: {  	v3 =	vmov s29  }
0xce: {  	v3 =	vand.u32 $0x71, v3  }
0xcf: {  	[tilespmem:s26+$0x70] =	vst v2;
	v2 =	vbroadcast v3, $0x0  }
0xd0: {  	v1 =	vld.idx.msk [tilespmem:v1+s24+$0x0], $0xffff  }
0xd1: {  	v2 =	vor.u32 v0, v2  }
0xd2: {  	s31 =	sadd.s32 $0xFFFFFFF3, s28  }
0xd3: {  	v3 =	vmov s31  }
0xd4: {  	s26 =	sadd.s32 $0x100, s26;
	v3 =	vand.u32 $0x72, v3  }
0xd5: {  	[tilespmem:s26+$0xFFFFFF80] =	vst v1;
	v1 =	vbroadcast v3, $0x0  }
0xd6: {  	v2 =	vld.idx.msk [tilespmem:v2+s24+$0x0], $0xffff  }
0xd7: {  	v1 =	vor.u32 v0, v1  }
0xd8: {  	s30 =	sadd.s32 $0xFFFFFFF4, s28  }
0xd9: {  	v3 =	vmov s30  }
0xda: {  	v3 =	vand.u32 $0x73, v3  }
0xdb: {  	[tilespmem:s26+$0xFFFFFF90] =	vst v2;
	v2 =	vbroadcast v3, $0x0  }
0xdc: {  	v1 =	vld.idx.msk [tilespmem:v1+s24+$0x0], $0xffff  }
0xdd: {  	v2 =	vor.u32 v0, v2  }
0xde: {  	s31 =	sadd.s32 $0xFFFFFFF5, s28  }
0xdf: {  	v3 =	vmov s31  }
0xe0: {  	v3 =	vand.u32 $0x74, v3  }
0xe1: {  	[tilespmem:s26+$0xFFFFFFA0] =	vst v1;
	v1 =	vbroadcast v3, $0x0  }
0xe2: {  	v2 =	vld.idx.msk [tilespmem:v2+s24+$0x0], $0xffff  }
0xe3: {  	v1 =	vor.u32 v0, v1  }
0xe4: {  	s30 =	sadd.s32 $0xFFFFFFF6, s28  }
0xe5: {  	v3 =	vmov s30  }
0xe6: {  	v3 =	vand.u32 $0x75, v3  }
0xe7: {  	[tilespmem:s26+$0xFFFFFFB0] =	vst v2;
	v2 =	vbroadcast v3, $0x0  }
0xe8: {  	v1 =	vld.idx.msk [tilespmem:v1+s24+$0x0], $0xffff  }
0xe9: {  	v2 =	vor.u32 v0, v2  }
0xea: {  	s31 =	sadd.s32 $0xFFFFFFF7, s28  }
0xeb: {  	v3 =	vmov s31  }
0xec: {  	v3 =	vand.u32 $0x76, v3  }
0xed: {  	[tilespmem:s26+$0xFFFFFFC0] =	vst v1;
	v1 =	vbroadcast v3, $0x0  }
0xee: {  	v2 =	vld.idx.msk [tilespmem:v2+s24+$0x0], $0xffff  }
0xef: {  	v1 =	vor.u32 v0, v1  }
0xf0: {  	s30 =	sadd.s32 $0xFFFFFFF8, s28  }
0xf1: {  	v3 =	vmov s30  }
0xf2: {  	v3 =	vand.u32 $0x77, v3  }
0xf3: {  	[tilespmem:s26+$0xFFFFFFD0] =	vst v2;
	v2 =	vbroadcast v3, $0x0  }
0xf4: {  	v1 =	vld.idx.msk [tilespmem:v1+s24+$0x0], $0xffff  }
0xf5: {  	v2 =	vor.u32 v0, v2  }
0xf6: {  	s31 =	sadd.s32 $0xFFFFFFF9, s28  }
0xf7: {  	v3 =	vmov s31  }
0xf8: {  	v3 =	vand.u32 $0x78, v3  }
0xf9: {  	[tilespmem:s26+$0xFFFFFFE0] =	vst v1;
	v1 =	vbroadcast v3, $0x0  }
0xfa: {  	v2 =	vld.idx.msk [tilespmem:v2+s24+$0x0], $0xffff  }
0xfb: {  	v1 =	vor.u32 v0, v1  }
0xfc: {  	s30 =	sadd.s32 $0xFFFFFFFA, s28  }
0xfd: {  	v3 =	vmov s30  }
0xfe: {  	v3 =	vand.u32 $0x79, v3  }
0xff: {  	[tilespmem:s26+$0xFFFFFFF0] =	vst v2;
	v2 =	vbroadcast v3, $0x0  }
0x100: {  	v1 =	vld.idx.msk [tilespmem:v1+s24+$0x0], $0xffff  }
0x101: {  	v2 =	vor.u32 v0, v2  }
0x102: {  	s31 =	sadd.s32 $0xFFFFFFFB, s28  }
0x103: {  	v3 =	vmov s31  }
0x104: {  	v3 =	vand.u32 $0x7A, v3  }
0x105: {  	[tilespmem:s26+$0x0] =	vst v1;
	v1 =	vbroadcast v3, $0x0  }
0x106: {  	v2 =	vld.idx.msk [tilespmem:v2+s24+$0x0], $0xffff  }
0x107: {  	v1 =	vor.u32 v0, v1  }
0x108: {  	s30 =	sadd.s32 $0xFFFFFFFC, s28  }
0x109: {  	v3 =	vmov s30  }
0x10a: {  	v3 =	vand.u32 $0x7B, v3  }
0x10b: {  	[tilespmem:s26+$0x10] =	vst v2;
	v2 =	vbroadcast v3, $0x0  }
0x10c: {  	v1 =	vld.idx.msk [tilespmem:v1+s24+$0x0], $0xffff  }
0x10d: {  	v2 =	vor.u32 v0, v2  }
0x10e: {  	s31 =	sadd.s32 $0xFFFFFFFD, s28  }
0x10f: {  	v3 =	vmov s31  }
0x110: {  	v3 =	vand.u32 $0x7C, v3  }
0x111: {  	[tilespmem:s26+$0x20] =	vst v1;
	v1 =	vbroadcast v3, $0x0  }
0x112: {  	v2 =	vld.idx.msk [tilespmem:v2+s24+$0x0], $0xffff  }
0x113: {  	v1 =	vor.u32 v0, v1  }
0x114: {  	s30 =	sadd.s32 $0xFFFFFFFE, s28  }
0x115: {  	v3 =	vmov s30  }
0x116: {  	v3 =	vand.u32 $0x7D, v3  }
0x117: {  	[tilespmem:s26+$0x30] =	vst v2;
	v2 =	vbroadcast v3, $0x0  }
0x118: {  	v1 =	vld.idx.msk [tilespmem:v1+s24+$0x0], $0xffff  }
0x119: {  	v2 =	vor.u32 v0, v2  }
0x11a: {  	s31 =	sadd.s32 $0xFFFFFFFF, s28  }
0x11b: {  	v3 =	vmov s31  }
0x11c: {  	v3 =	vand.u32 $0x7E, v3  }
0x11d: {  	[tilespmem:s26+$0x40] =	vst v1;
	v1 =	vbroadcast v3, $0x0  }
0x11e: {  	v2 =	vld.idx.msk [tilespmem:v2+s24+$0x0], $0xffff  }
0x11f: {  	v1 =	vor.u32 v0, v1;
	_ =	sdelay $0x1  }
0x120: {  	v3 =	vmov s28  }
0x121: {  	v3 =	vand.u32 $0x7F, v3  }
0x122: {  	[tilespmem:s26+$0x50] =	vst v2;
	v2 =	vbroadcast v3, $0x0  }
0x123: {  	v1 =	vld.idx.msk [tilespmem:v1+s24+$0x0], $0xffff  }
0x124: {  	v2 =	vor.u32 v0, v2;
	_ =	sdelay $0x3  }
0x125: {  	[tilespmem:s26+$0x60] =	vst v1  }
0x126: {  	v1 =	vld.idx.msk [tilespmem:v2+s24+$0x0], $0xffff  }
0x127: {  	p1 =	sne.s32 s22, s8  }
.Ltmp1:
0x128: {  	_ = 	snop;
	(pc) =	sbr.rel @p1 .LBB2_2-.Ltmp1, $4  }
0x129: {  	s23 =	sshll.u32 s23, $0x8  }
0x12a: {  	s23 =	sand.u32 $0x1FFFFF00, s23  }
0x12b: {  	p0 =	por !p0, !p0;
	s23 =	sadd.s32 s7, s23;
	[tilespmem:s26+$0x70] =	vst v1  }
0x12c: {  	[hbm4b:s23+s5] =	stream.linear.scatter [tilespmem:s25], [sflag:$0x2], $0x800, $0x38;
	[tilespmem:$0x5480] =	vst v63  }
0x12d: {  	_ =	swait.ge [sflag:s16], $0x800  }
0x12e: {  	[sflag:s16] =	ssyncset.done $0x0  }
0x12f: {  	s22 =	simm.s32 $0x0;
	[sflag:s16] =	ssyncadd.s32 $0xFFFFF800  }
0x130: {  	[tilespmem:s17], [sflag:$0x3] =	stream.linear.gather [hbm4b:s4+s22], $0x1A, $0x38;
	[tilespmem:$0x5480] =	vst v63  }
0x131: {  	_ =	swait.ge [sflag:s18], $0x1A  }
0x132: {  	[sflag:s18] =	ssyncset.done $0x0  }
0x133: {  	s23 =	simm.s32 $0x0;
	[sflag:s18] =	ssyncadd.s32 $0xFFFFFFE6  }
.LBB2_6:
0x134: {  	s24 =	sshll.u32 s23, $0xA  }
0x135: {  	s25 =	sadd.s32 s6, s24  }
0x136: {  	s26 =	sand.u32 $0xE0000, s25;
	s28 =	sshll.u32 s25, $0x3;
	s29 =	sshrl.u32 s25, $0xE  }
0x137: {  	s25 =	sshrl.u32 s25, $0x7;
	s26 =	sadd.s32 s28, s26;
	s28 =	sshll.u32 s29, $0x11  }
0x138: {  	s25 =	sand.u32 $0x380, s25;
	s26 =	ssub.s32 s26, s28  }
0x139: {  	s25 =	sor.u32 s25, s26  }
0x13a: {  	s25 =	sshrl.u32 s25, $0x3  }
0x13b: {  	s24 =	sadd.s32 $0x2000, s24;
	v1 =	vmov s29;
	s25 =	sadd.s32 s2, s25  }
0x13c: {  	[tilespmem:s24], [sflag:$0x3] =	stream.strided.gather [hbm4b:s25+s19], $0x400, s13, s19, $0x38;
	[tilespmem:$0x5480] =	vst v63  }
0x13d: {  	_ =	swait.ge [sflag:s18], $0x400  }
0x13e: {  	s30 =	sand.u32 $0x380, s22;
	[sflag:s18] =	ssyncset.done $0x0  }
0x13f: {  	s31 =	sand.u32 $0x70, s22;
	s25 =	sadd.s32 s30, s24;
	[sflag:s18] =	ssyncadd.s32 $0xFFFFFC00  }
0x140: {  	s25 =	sadd.s32 s31, s25;
	v1 =	vld.idx.msk [tilespmem:v1+s17+$0x0], $0xffff  }
0x141: {  	v2 =	vld [tilespmem:s25+$0x0];
	_ =	sdelay $0x2  }
0x142: {  	s28 =	simm.s32 $0x10  }
0x143: {  	s29 =	sand.u32 $0x380, s28;
	s26 =	simm.s32 $0x20  }
.LBB2_7:
0x144: {  	p0 =	sne.s32 s26, $0x3F0;
	s28 =	sand.u32 $0x70, s28;
	s29 =	sadd.s32 s29, s24;
	v2 =	vadd.s32 v1, v2  }
0x145: {  	[tilespmem:s25+$0x0] =	vst v2;
	s25 =	sadd.s32 s28, s29;
	s28 =	smov.u32 s26  }
.Ltmp2:
0x146: {  	v2 =	vld [tilespmem:s25+$0x0];
	(pc) =	sbr.rel @p0 .LBB2_7-.Ltmp2, $2  }
0x147: {  	_ =	sdelay $0x2  }
0x148: {  	s26 =	sadd.s32 $0x10, s26;
	s29 =	sand.u32 $0x380, s28  }
0x149: {  	s26 =	sand.u32 $0x70, s28;
	s24 =	sadd.s32 s29, s24;
	v2 =	vadd.s32 v1, v2  }
0x14a: {  	s24 =	sadd.s32 s26, s24;
	[tilespmem:s25+$0x0] =	vst v2  }
0x14b: {  	s23 =	sadd.s32 $0x1, s23;
	v2 =	vld [tilespmem:s24+$0x0]  }
0x14c: {  	p0 =	sne.s32 s23, $0xD  }
.Ltmp3:
0x14d: {  	_ = 	snop;
	(pc) =	sbr.rel @p0 .LBB2_6-.Ltmp3, $3  }
0x14e: {  	_ =	sdelay $0x1  }
0x14f: {  	v1 =	vadd.s32 v1, v2  }
0x150: {  	[tilespmem:s24+$0x0] =	vst v1  }
0x151: {  	s21 =	sadd.s32 $0x1, s21  }
0x152: {  	p0 =	sne.s32 s21, s12  }
.Ltmp4:
0x153: {  	_ = 	snop;
	(pc) =	sbr.rel @p0 .LBB2_1-.Ltmp4, $4  }
0x154: {  	[hbm4b:s11+s5] =	stream.linear.scatter [tilespmem:s20], [sflag:$0x3], $0x3400, $0x38;
	[tilespmem:$0x5480] =	vst v63  }
0x155: {  	_ =	swait.ge [sflag:s18], $0x3400  }
0x156: {  	[sflag:s18] =	ssyncset.done $0x0  }
0x157: {  	[sflag:s18] =	ssyncadd.s32 $0xFFFFCC00  }
0x158: {  	_ =	sfence.sel $0x180000  }
0x159: {  	[bflag:$0x0] =	sbarrier.arrive $0xFFFF  }
0x15a: {  	p0 =	sne.s32 s0, $0x0;
	_ =	strace $0x90000047  }
0x15b: {  	s0 =	sadd.s32 @!p0 $0x100000, s3;
	[bflag:$0x2] =	sbarrier.arrive $0xFFFF  }
0x15c: {  	[sflag:s0] =	ssyncadd.tile.s32 @!p0 $0x1;
	_ =	shalt  }
.Lfunc_end2:
_tile_overlayer_lowered:
.L_overlay_start_2:
0x15d: {  	(tag) =	ssettag $0x2  }
0x15e: {  	s0 =	rddreg [dreg:$0x0];
	s2 =	stileid.u32  }
0x15f: {  	s1 =	rddreg [dreg:$0x1];
	p0 =	sne.s32 s2, $0x0  }
0x160: {  	s3 =	rddreg [dreg:$0x2];
	[bflag:$0x3] =	sbarrier.arrive $0xFFFF;
	s2 =	simm.s32 @!p0 $0x1C03  }
0x161: {  	[timem:s3], [sflag:s2] =	dma.local @!p0 [hbm:s0], s1  }
0x162: {  	s0 =	simm.s32 @!p0 $0x3  }
0x163: {  	_ =	swait.ge @!p0 [sflag:s0], s1  }
0x164: {  	s1 =	ssub.s32 @!p0 $0x0, s1;
	[sflag:s0] =	ssyncset.done @!p0 $0x0  }
0x165: {  	[sflag:s0] =	ssyncadd.s32 @!p0 s1  }
0x166: {  	[bflag:$0x3] =	sbarrier.arrive $0xFFFF  }
0x167: {  	_ =	shalt  }

// kernel: kernel.7.cloned.1.call-start
scs
__scs_entry_jumppad:
0x0: {  	(pc) =	sbr.rel $0x88, $3  }
0x1: {  	(tag) =	ssettag $0x0;
	lr =	simm.s32 $0x1  }
0x2: {  	[smem:$0x3F9E] =	sst lr;
	_ =	strace $0xD0000000  }
0x3: {  	_ = 	snop  }
0x4: {  	_ = 	snop  }
0x5: {  	_ = 	snop  }
0x6: {  	_ = 	snop  }
0x7: {  	_ = 	snop  }
__scs_overlays_trampoline_lowered:
0x8: {  	[smem:$0x3FAD] =	sst s0  }
0x9: {  	[smem:$0x3FAE] =	sst s1  }
0xa: {  	[smem:$0x3FAF] =	sst s2  }
0xb: {  	[smem:$0x3FB0] =	sst s3  }
0xc: {  	[smem:$0x3FB1] =	sst s4  }
0xd: {  	[smem:$0x3FB2] =	sst s5  }
0xe: {  	[smem:$0x3FB3] =	sst s6  }
0xf: {  	[smem:$0x3FB4] =	sst s7  }
0x10: {  	[smem:$0x3FB5] =	sst s8  }
0x11: {  	[smem:$0x3FB6] =	sst s9;
	s0 =	simm.s32 @!p0 $0x0  }
0x12: {  	s1 =	sld [smem:$0x3F9C];
	s0 =	simm.s32 @p0 $0x1  }
0x13: {  	[smem:$0x3FB7] =	sst s0;
	s0 =	simm.s32 @!p1 $0x0  }
0x14: {  	s2 =	sld [smem:$0x3F9B];
	s0 =	simm.s32 @p1 $0x1  }
0x15: {  	[smem:$0x3FB8] =	sst s0;
	s0 =	simm.s32 @!p2 $0x0  }
0x16: {  	s3 =	sld [smem:$0x3FDB];
	s0 =	simm.s32 @p2 $0x1  }
0x17: {  	s4 =	simm.s32 $0x1BF5;
	[smem:$0x3FBA] =	sst s0  }
0x18: {  	s0 =	sld [smem:$0x3F9D];
	_ =	swait.ge [sflag:s4], $0x0  }
0x19: {  	s7 =	sld [smem:$0x3F9E]  }
0x1a: {  	s8 =	sadd.s32 $0xFFFFE003, lr  }
0x1b: {  	s9 =	sadd.s32 $0xFFFFFEF7, lr;
	s5 =	simm.s32 $0xFFFFFFFF;
	p2 =	slt.u32 s8, $0xFFFFF086  }
0x1c: {  	p1 =	slt.u32 s9, $0xF7A;
	s5 =	simm.s32 @!p2 $0x0  }
0x1d: {  	s5 =	simm.s32 @p1 $0x1;
	p0 =	seq.s32 s7, s2  }
0x1e: {  	s7 =	smul.u32 @!p0 $0xF7A, s2;
	p2 =	seq.s32 @!p0 s5, $0x0  }
0x1f: {  	s9 =	smul.u32 $0xF7A, s1;
	s8 =	simm.s32 @!p0 $0x1BF5;
	p2 =	por !p2, p0  }
0x20: {  	[sflag:s8] =	ssyncset.s32 @!p0 $0xFFFFF086;
	s6 =	sadd.s32 @!p0 s3, s7;
	s7 =	simm.s32 @!p0 $0x108  }
0x21: {  	s3 =	sadd.s32 s3, s9;
	s6 =	sadd.s32 @!p0 $0x88, s6;
	s7 =	simm.s32 @p2 $0x1082  }
0x22: {  	[simem:s7], [sflag:s8] =	dma.local @!p0 [hbm:s6], $0xF7A  }
0x23: {  	s9 =	sor.u32 $0xD0000000, s2;
	s6 =	simm.s32 $0x108;
	_ =	swait.ge @!p0 [sflag:s8], $0x0  }
0x24: {  	s3 =	sadd.s32 $0x88, s3;
	s6 =	simm.s32 @!p1 $0x1082;
	[sflag:s4] =	ssyncset.s32 $0xFFFFF086  }
0x25: {  	[simem:s6], [sflag:s4] =	dma.local [hbm:s3], $0xF7A  }
0x26: {  	[smem:$0x3F9E] =	sst s1;
	(tag) =	ssettag s2;
	_ =	strace s9  }
0x27: {  	s1 =	sld [smem:$0x3FAE]  }
0x28: {  	s2 =	sld [smem:$0x3FAF]  }
0x29: {  	s4 =	sld [smem:$0x3FB1]  }
0x2a: {  	p0 =	seq.s32 s5, $0x0;
	s5 =	sld [smem:$0x3FB2]  }
0x2b: {  	s6 =	sld [smem:$0x3FB3]  }
0x2c: {  	s7 =	sld [smem:$0x3FB4]  }
0x2d: {  	s3 =	simm.s32 $0x108;
	s8 =	sld [smem:$0x3FB5]  }
0x2e: {  	s3 =	simm.s32 @!p0 $0x1082;
	s9 =	sld [smem:$0x3FB6]  }
0x2f: {  	lr =	sadd.s32 s0, s3;
	s0 =	sld [smem:$0x3FAD]  }
0x30: {  	s3 =	sld [smem:$0x3FB0]  }
0x31: {  	[smem:$0x3FB9] =	sst s10  }
0x32: {  	s10 =	sld [smem:$0x3FB7];
	_ =	sdelay $0x3  }
0x33: {  	p0 =	seq.s32 s10, $0x1;
	s10 =	sld [smem:$0x3FB9];
	_ =	sdelay $0x3  }
0x34: {  	[smem:$0x3FB9] =	sst s10  }
0x35: {  	s10 =	sld [smem:$0x3FB8];
	_ =	sdelay $0x3  }
0x36: {  	p1 =	seq.s32 s10, $0x1;
	s10 =	sld [smem:$0x3FB9];
	_ =	sdelay $0x3  }
0x37: {  	[smem:$0x3FB9] =	sst s10  }
0x38: {  	s10 =	sld [smem:$0x3FBA]  }
0x39: {  	_ = 	snop;
	(pc) =	sbr.ind lr, $3  }
0x3a: {  	_ = 	snop  }
0x3b: {  	_ = 	snop  }
0x3c: {  	p2 =	seq.s32 s10, $0x1;
	s10 =	sld [smem:$0x3FB9]  }
0x3d: {  	_ =	shalt  }
0x3e: {  	_ =	shalt  }
0x3f: {  	_ =	shalt  }
0x40: {  	_ =	shalt  }
0x41: {  	_ =	shalt  }
0x42: {  	_ =	shalt  }
0x43: {  	_ =	shalt  }
0x44: {  	_ =	shalt  }
0x45: {  	_ =	shalt  }
0x46: {  	_ =	shalt  }
0x47: {  	_ =	shalt  }
0x48: {  	_ =	shalt  }
0x49: {  	_ =	shalt  }
0x4a: {  	_ =	shalt  }
0x4b: {  	_ =	shalt  }
0x4c: {  	_ =	shalt  }
0x4d: {  	_ =	shalt  }
0x4e: {  	_ =	shalt  }
0x4f: {  	_ =	shalt  }
0x50: {  	_ =	shalt  }
0x51: {  	_ =	shalt  }
0x52: {  	_ =	shalt  }
0x53: {  	_ =	shalt  }
0x54: {  	_ =	shalt  }
0x55: {  	_ =	shalt  }
0x56: {  	_ =	shalt  }
0x57: {  	_ =	shalt  }
0x58: {  	_ =	shalt  }
0x59: {  	_ =	shalt  }
0x5a: {  	_ =	shalt  }
0x5b: {  	_ =	shalt  }
0x5c: {  	_ =	shalt  }
0x5d: {  	_ =	shalt  }
0x5e: {  	_ =	shalt  }
0x5f: {  	_ =	shalt  }
0x60: {  	_ =	shalt  }
0x61: {  	_ =	shalt  }
0x62: {  	_ =	shalt  }
0x63: {  	_ =	shalt  }
0x64: {  	_ =	shalt  }
0x65: {  	_ =	shalt  }
0x66: {  	_ =	shalt  }
0x67: {  	_ =	shalt  }
0x68: {  	_ =	shalt  }
0x69: {  	_ =	shalt  }
0x6a: {  	_ =	shalt  }
0x6b: {  	_ =	shalt  }
0x6c: {  	_ =	shalt  }
0x6d: {  	_ =	shalt  }
0x6e: {  	_ =	shalt  }
0x6f: {  	_ =	shalt  }
0x70: {  	_ =	shalt  }
0x71: {  	_ =	shalt  }
0x72: {  	_ =	shalt  }
0x73: {  	_ =	shalt  }
0x74: {  	_ =	shalt  }
0x75: {  	_ =	shalt  }
0x76: {  	_ =	shalt  }
0x77: {  	_ =	shalt  }
0x78: {  	_ =	shalt  }
0x79: {  	_ =	shalt  }
0x7a: {  	_ =	shalt  }
0x7b: {  	_ =	shalt  }
0x7c: {  	_ =	shalt  }
0x7d: {  	_ =	shalt  }
0x7e: {  	_ =	shalt  }
0x7f: {  	_ =	shalt  }
0x80: {  	_ =	shalt  }
0x81: {  	_ =	shalt  }
0x82: {  	_ =	shalt  }
0x83: {  	_ =	shalt  }
0x84: {  	_ =	shalt  }
0x85: {  	_ =	shalt  }
0x86: {  	_ =	shalt  }
0x87: {  	_ =	shalt  }
.Lfunc_end0:
.L_simem_size_0:
called_computation.1_lowered:
.L_overlay_start_0:
0x88: {  	s2 =	sld [smem:$0x3FD9]  }
0x89: {  	s3 =	sld [smem:$0x3FFE];
	_ =	sdelay $0x1  }
0x8a: {  	s1 =	srdreg.scid  }
0x8b: {  	s0 =	sand.u32 $0x1, s1  }
0x8c: {  	s17 =	sshll.u32 s0, $0xA;
	s2 =	sadd.s32 s3, s2  }
0x8d: {  	s2 =	sadd.s32 s2, s17  }
0x8e: {  	[smem:$0x3FC5] =	sst s2  }
0x8f: {  	_ = 	snop  }
0x90: {  	s2 =	sld [smem:$0x3FD0];
	(tm) =	ssettm $0x1  }
0x91: {  	s18 =	sld [smem:$0x3FFB];
	_ =	sdelay $0x3  }
0x92: {  	_ =	strace s18  }
0x93: {  	s3 =	sld [smem:$0x3FFC];
	_ =	sdelay $0x3  }
0x94: {  	_ =	strace s3  }
0x95: {  	s3 =	sld [smem:$0x3FFD];
	_ =	sdelay $0x3  }
0x96: {  	_ =	strace s3  }
0x97: {  	_ =	strace $0x8FFFFFFF  }
0x98: {  	s19 =	sld [smem:$0x3FDB];
	_ =	sdelay $0x1  }
0x99: {  	s4 =	simm.s32 $_scs_section_size  }
0x9a: {  	s5 =	simm.s32 $_size__tile_overlayer_lowered;
	s6 =	simm.s32 $_tile_overlayer_lowered  }
0x9b: {  	s22 =	simm.s32 $0x1BFF;
	s21 =	sshll.u32 s6, $0x1;
	s3 =	sadd.s32 s4, s19  }
0x9c: {  	s7 =	simm.s32 $0x0;
	s20 =	sshll.u32 s5, $0x1;
	s5 =	sadd.s32 s21, s3  }
0x9d: {  	[timem:s7], [sflag:s22] =	dma.local [hbm:s5], s20  }
0x9e: {  	_ =	swait.ge [sflag:s22], s20  }
0x9f: {  	s4 =	ssub.s32 $0x0, s20;
	[sflag:s22] =	ssyncset.done $0x0  }
0xa0: {  	[sflag:s22] =	ssyncadd.s32 s4;
	_ =	sdelay $0x1  }
0xa1: {  	s23 =	simm.s32 $0x1B8B  }
0xa2: {  	_ =	swait.ge [sflag:s23], $0x1  }
0xa3: {  	[sflag:s23] =	ssyncset.done $0x0  }
0xa4: {  	s25 =	simm.s32 $0x1B8E;
	s24 =	sld [smem:$0x3FFE];
	[sflag:s23] =	ssyncadd.s32 $0xFFFFFFFF  }
0xa5: {  	s26 =	simm.s32 $execute0_lowered;
	[smem:$0x3FD2] =	sst s25  }
0xa6: {  	s5 =	sshll.u32 s26, $0x1;
	_ =	strace $0x80000049;
	[dreg:$0x1] =	wrdreg $0xFFFFFFFF  }
0xa7: {  	s28 =	simm.s32 $_size_execute0_lowered;
	s3 =	sadd.s32 s3, s5;
	[dreg:$0x0] =	wrdreg $0x0  }
0xa8: {  	s5 =	sshll.u32 s28, $0x1;
	[dreg:$0x2] =	wrdreg s3  }
0xa9: {  	[dreg:$0x3] =	wrdreg s5  }
0xaa: {  	[dreg:$0x4] =	wrdreg $0xC0  }
0xab: {  	_ =	task [dreg:s7], $0x5FFFF  }
0xac: {  	[dreg:$0x1] =	wrdreg $0xFFFFFFFF  }
0xad: {  	[dreg:$0x0] =	wrdreg $0x60  }
0xae: {  	[dreg:$0x2] =	wrdreg s24  }
0xaf: {  	[dreg:$0x3] =	wrdreg s2  }
0xb0: {  	[dreg:$0x4] =	wrdreg $0x9  }
0xb1: {  	_ =	task.clear_ibuf [dreg:s7], $0x5FFFF;
	_ =	strace $0x90000049  }
0xb2: {  	s29 =	simm.s32 $0x9;
	_ =	strace $0x8000004B  }
0xb3: {  	_ =	swait.ge [sflag:s29], $0x1  }
0xb4: {  	[sflag:s29] =	ssyncadd.s32 $0xFFFFFFFF  }
0xb5: {  	_ =	strace $0x9000004B  }
0xb6: {  	_ =	sfence  }
0xb7: {  	s30 =	sld [smem:$0x0];
	_ =	sdelay $0x2  }
0xb8: {  	s31 =	sshll.u32 s1, $0xD;
	s1 =	sshrl.u32 s1, $0x2  }
0xb9: {  	s3 =	sand.u32 $0x4000, s31;
	s1 =	sadd.s32 s1, s30  }
0xba: {  	s0 =	sor.u32 s3, s0;
	s1 =	sshll.u32 s1, $0x11  }
0xbb: {  	s0 =	sor.u32 s1, s0  }
0xbc: {  	s0 =	sadd.s32 $0x8F2B, s0  }
0xbd: {  	[sflag:s0] =	ssyncadd.remote.s32 $0x1  }
0xbe: {  	_ =	sfence.sel $0xFFFF  }
0xbf: {  	[dreg:$0x0] =	wrdreg $0xFFFFFFFF;
	(pc) =	sbr.abs _section_cstart, $3  }
0xc0: {  	[dreg:$0x1] =	wrdreg $0xFFFFFFFF  }
0xc1: {  	_ =	task.clear_ibuf [dreg:s7], $0x2FFFF;
	_ =	strace $0x9FFFFFFF  }
0xc2: {  	(tm) =	ssettm $0x7FFFFFFF  }
0xc3: {  	_ =	shalt  }
tec
execute0_lowered:
.L_overlay_start_1:
0x0: {  	(tag) =	ssettag $0x1  }
0x1: {  	s3 =	rddreg [dreg:$0x0];
	s1 =	srdreg.scid  }
0x2: {  	s0 =	stileid.u32;
	s5 =	rddreg [dreg:$0x1]  }
0x3: {  	s2 =	simm.s32 $0x0;
	s10 =	simm.s32 $0x0;
	s6 =	smul.u32 $0x6800, s0  }
0x4: {  	s4 =	sand.u32 $0x1, s1;
	s1 =	rddreg [dreg:$0x2];
	s9 =	smul.u32 $0xD000, s0  }
0x5: {  	[smem:$0x7FF] =	sst s2;
	s7 =	smul.u32 $0x3400, s4;
	s30 =	ssub.s32 $0x2, s4  }
0x6: {  	_ =	strace $0x8000004A;
	s31 =	smul.u32 $0x6800, s4;
	s8 =	sshrl.u32 s30, $0x1  }
0x7: {  	s5 =	sadd.s32 s9, s5;
	s9 =	simm.s32 $0x1;
	s6 =	sadd.s32 s7, s6  }
0x8: {  	s7 =	ssub.s32 s30, s8;
	s5 =	sadd.s32 s31, s5;
	s6 =	sshrl.u32 s6, $0x3  }
0x9: {  	s8 =	simm.s32 $0x680;
	s4 =	smax.u32 s7, $0x1;
	s6 =	sadd.s32 s6, s3  }
0xa: {  	s7 =	simm.s32 $0x2;
	s3 =	sadd.s32 $0xC00, s3;
	s6 =	sadd.s32 $0x4F6600, s6  }
.LBB2_1:
0xb: {  	s11 =	sadd.s32 $0x0, s6  }
0xc: {  	[tilespmem:s2], [sflag:$0x2] =	stream.linear.gather [hbm4b:s11+s2], $0x680, $0x38;
	[tilespmem:$0x6E80] =	vst v63  }
0xd: {  	_ =	swait.ge [sflag:s7], $0x680  }
0xe: {  	[sflag:s7] =	ssyncset.done $0x0  }
0xf: {  	[sflag:s7] =	ssyncadd.s32 $0xFFFFF980  }
0x10: {  	[tilespmem:s8], [sflag:$0x1] =	stream.indirect.gather [hbm4b:s3+s8], $0x10, s2, s8, $0xb8;
	[tilespmem:$0x6E80] =	vst v63  }
0x11: {  	_ =	swait.ge [sflag:s9], $0x6800  }
0x12: {  	[sflag:s9] =	ssyncset.done $0x0  }
0x13: {  	[sflag:s9] =	ssyncadd.s32 $0xFFFF9800  }
0x14: {  	[hbm4b:s5+s2] =	stream.linear.scatter [tilespmem:s8], [sflag:$0x2], $0x6800, $0x38;
	[tilespmem:$0x6E80] =	vst v63  }
0x15: {  	s12 =	simm.s32 $0xD0;
	_ =	swait.ge [sflag:s7], $0x6800  }
0x16: {  	s13 =	simm.s32 $0x1A0;
	s11 =	sadd.s32 $0xD00, s5;
	[sflag:s7] =	ssyncset.done $0x0  }
.LBB2_2:
0x17: {  	s14 =	sadd.s32 s12, s6  }
0x18: {  	[sflag:s7] =	ssyncadd.s32 $0xFFFF9800;
	s12 =	smov.u32 s13;
	s15 =	sadd.s32 $0xD0, s13  }
0x19: {  	[tilespmem:s2], [sflag:$0x2] =	stream.linear.gather [hbm4b:s14+s2], $0x680, $0x38;
	[tilespmem:$0x6E80] =	vst v63  }
0x1a: {  	p0 =	sne.s32 s13, $0x5B0;
	_ =	swait.ge [sflag:s7], $0x680  }
0x1b: {  	[sflag:s7] =	ssyncset.done $0x0  }
0x1c: {  	[sflag:s7] =	ssyncadd.s32 $0xFFFFF980  }
0x1d: {  	[tilespmem:s8], [sflag:$0x1] =	stream.indirect.gather [hbm4b:s3+s8], $0x10, s2, s8, $0xb8;
	[tilespmem:$0x6E80] =	vst v63  }
0x1e: {  	_ =	swait.ge [sflag:s9], $0x6800  }
.Ltmp0:
0x1f: {  	[sflag:s9] =	ssyncset.done $0x0;
	(pc) =	sbr.rel @p0 .LBB2_2-.Ltmp0, $4  }
0x20: {  	[sflag:s9] =	ssyncadd.s32 $0xFFFF9800  }
0x21: {  	[hbm4b:s11+s2] =	stream.linear.scatter [tilespmem:s8], [sflag:$0x2], $0x6800, $0x38;
	[tilespmem:$0x6E80] =	vst v63  }
0x22: {  	_ =	swait.ge [sflag:s7], $0x6800  }
0x23: {  	s13 =	smov.u32 s15;
	s11 =	sadd.s32 $0xD00, s11;
	[sflag:s7] =	ssyncset.done $0x0  }
0x24: {  	s12 =	sadd.s32 s12, s6;
	[sflag:s7] =	ssyncadd.s32 $0xFFFF9800  }
0x25: {  	[tilespmem:s2], [sflag:$0x2] =	stream.linear.gather [hbm4b:s12+s2], $0x680, $0x38;
	[tilespmem:$0x6E80] =	vst v63  }
0x26: {  	_ =	swait.ge [sflag:s7], $0x680  }
0x27: {  	[sflag:s7] =	ssyncset.done $0x0  }
0x28: {  	[sflag:s7] =	ssyncadd.s32 $0xFFFFF980  }
0x29: {  	[tilespmem:s8], [sflag:$0x1] =	stream.indirect.gather [hbm4b:s3+s8], $0x10, s2, s8, $0xb8;
	[tilespmem:$0x6E80] =	vst v63  }
0x2a: {  	s10 =	sadd.s32 $0x1, s10;
	_ =	swait.ge [sflag:s9], $0x6800  }
0x2b: {  	p0 =	sne.s32 s10, s4;
	[sflag:s9] =	ssyncset.done $0x0  }
.Ltmp1:
0x2c: {  	[sflag:s9] =	ssyncadd.s32 $0xFFFF9800;
	(pc) =	sbr.rel @p0 .LBB2_1-.Ltmp1, $4  }
0x2d: {  	[hbm4b:s11+s2] =	stream.linear.scatter [tilespmem:s8], [sflag:$0x2], $0x6800, $0x38;
	[tilespmem:$0x6E80] =	vst v63  }
0x2e: {  	_ =	swait.ge [sflag:s7], $0x6800  }
0x2f: {  	[sflag:s7] =	ssyncset.done $0x0  }
0x30: {  	[sflag:s7] =	ssyncadd.s32 $0xFFFF9800  }
0x31: {  	_ =	sfence.sel $0x180000  }
0x32: {  	[bflag:$0x0] =	sbarrier.arrive $0xFFFF  }
0x33: {  	p0 =	sne.s32 s0, $0x0;
	_ =	strace $0x9000004A  }
0x34: {  	s0 =	sadd.s32 @!p0 $0x100000, s1;
	[bflag:$0x2] =	sbarrier.arrive $0xFFFF  }
0x35: {  	[sflag:s0] =	ssyncadd.tile.s32 @!p0 $0x1;
	_ =	shalt  }
.Lfunc_end2:
_tile_overlayer_lowered:
.L_overlay_start_2:
0x36: {  	(tag) =	ssettag $0x2  }
0x37: {  	s0 =	rddreg [dreg:$0x0];
	s2 =	stileid.u32  }
0x38: {  	s1 =	rddreg [dreg:$0x1];
	p0 =	sne.s32 s2, $0x0  }
0x39: {  	s3 =	rddreg [dreg:$0x2];
	[bflag:$0x3] =	sbarrier.arrive $0xFFFF;
	s2 =	simm.s32 @!p0 $0x1C02  }
0x3a: {  	[timem:s3], [sflag:s2] =	dma.local @!p0 [hbm:s0], s1  }
0x3b: {  	s0 =	simm.s32 @!p0 $0x2  }
0x3c: {  	_ =	swait.ge @!p0 [sflag:s0], s1  }
0x3d: {  	s1 =	ssub.s32 @!p0 $0x0, s1;
	[sflag:s0] =	ssyncset.done @!p0 $0x0  }
0x3e: {  	[sflag:s0] =	ssyncadd.s32 @!p0 s1  }
0x3f: {  	[bflag:$0x3] =	sbarrier.arrive $0xFFFF  }
0x40: {  	_ =	shalt  }

</sc_bundles>
